<compile_context>
chip_gen: v7x
topology: tpu7x:2x2x1
jax: 0.10.2.dev20260603
libtpu: 0.0.44.dev20260713+nightly
codegen_flags: <defaults>
</compile_context>

<pallas_src>
import functools

import jax
import jax.numpy as jnp
import numpy as np
from jax import lax
from jax.experimental import pallas as pl
from jax.experimental.pallas import tpu as pltpu
from jax.experimental.pallas import tpu_sc as plsc

LANES = 16


def _sc_worker_count():
    try:
        info = plsc.get_sparse_core_info()
        return info.num_cores, info.num_subcores
    except Exception:
        return 2, 16


def _make_pool(V, E, B, SP, nc, ns):
    EW = E // 2
    nw = nc * ns
    bpw = B // nw
    nch = E // LANES
    mesh = plsc.VectorSubcoreMesh(core_axis_name="c", subcore_axis_name="s")

    NBUF = 4

    def body(text_hbm, table_hbm, out_hbm, idx_v, ring_v, res_v, sem0, sem1):
        wid = lax.axis_index("s") * nc + lax.axis_index("c")
        base = wid * bpw
        pltpu.sync_copy(text_hbm.at[pl.ds(2 * base, 2 * bpw)], idx_v)

        def fire(j, par):
            slot = jnp.bitwise_and(j, NBUF - 1)
            pltpu.async_copy(
                table_hbm.at[idx_v.at[j]],
                ring_v.at[pl.ds(slot * SP, SP)],
                sem0 if par == 0 else sem1,
            )

        def wait1(par):
            pltpu.make_async_copy(
                table_hbm.at[idx_v.at[0]],
                ring_v.at[pl.ds(0, SP)],
                sem0 if par == 0 else sem1,
            ).wait()

        def accum(j, accs):
            rbase = jnp.bitwise_and(j, NBUF - 1) * SP

            def sbody(s, accs):
                out = list(accs)
                for c in range(nch // 2):
                    xi = ring_v[rbase + s, pl.ds(LANES * c, LANES)]
                    lo = lax.bitcast_convert_type(
                        lax.shift_left(xi, 16), jnp.float32
                    )
                    hi = lax.bitcast_convert_type(
                        jnp.bitwise_and(xi, jnp.int32(-65536)), jnp.float32
                    )
                    out[2 * c] = out[2 * c] + lo
                    out[2 * c + 1] = out[2 * c + 1] + hi
                return tuple(out)

            return lax.fori_loop(0, SP, sbody, accs)

        zeros = tuple(jnp.zeros((LANES,), jnp.float32) for _ in range(nch))

        def store(i, accs):
            for c in range(nch):
                res_v[i, pl.ds(LANES * c, LANES)] = accs[c]

        for j in range(NBUF):
            fire(j, j % 2)

        def lbody(i, carry):
            wait1(0)
            accs = accum(2 * i, zeros)
            fire(2 * i + NBUF, 0)
            wait1(1)
            accs = accum(2 * i + 1, accs)
            fire(2 * i + NBUF + 1, 1)
            store(i, accs)
            return carry

        lax.fori_loop(0, bpw - NBUF // 2, lbody, 0)

        def tbody(i, carry):
            wait1(0)
            accs = accum(2 * i, zeros)
            wait1(1)
            accs = accum(2 * i + 1, accs)
            store(i, accs)
            return carry

        lax.fori_loop(bpw - NBUF // 2, bpw, tbody, 0)

        pltpu.sync_copy(res_v, out_hbm.at[pl.ds(base, bpw)])

    return pl.kernel(
        body,
        out_type=jax.ShapeDtypeStruct((B, E), jnp.float32),
        mesh=mesh,
        compiler_params=pltpu.CompilerParams(use_tc_tiling_on_sc=False),
        scratch_types=[
            pltpu.VMEM((2 * bpw, SP), jnp.int32),
            pltpu.VMEM((NBUF * SP, EW), jnp.int32),
            pltpu.VMEM((bpw, E), jnp.float32),
            pltpu.SemaphoreType.DMA,
            pltpu.SemaphoreType.DMA,
        ],
    )


def _make_tc_pool(V, E, B, S, bt):
    def body(text_ref, table_hbm, out_ref, tab_v, sem):
        i = pl.program_id(0)

        @pl.when(i == 0)
        def _():
            pltpu.make_async_copy(table_hbm, tab_v, sem).start()
            pltpu.make_async_copy(table_hbm, tab_v, sem).wait()

        iota16 = lax.broadcasted_iota(jnp.int32, (16, 1), 0)

        def sbody(s, accs):
            out = []
            for e in range(bt):
                idx = text_ref[e, s]
                q, r = idx // 16, idx % 16
                tile = tab_v[q].astype(jnp.float32)
                row = jnp.sum(
                    jnp.where(iota16 == r, tile, 0.0), axis=0, keepdims=True
                )
                out.append(accs[e] + row)
            return tuple(out)

        accs = tuple(jnp.zeros((1, E), jnp.float32) for _ in range(bt))
        accs = lax.fori_loop(0, S, sbody, accs)
        for e in range(bt):
            out_ref[pl.ds(e, 1), :] = accs[e]

    return pl.pallas_call(
        body,
        grid=(B // bt,),
        in_specs=[
            pl.BlockSpec((bt, S), lambda i: (i, 0), memory_space=pltpu.SMEM),
            pl.BlockSpec(memory_space=pl.ANY),
        ],
        out_specs=pl.BlockSpec((bt, E), lambda i: (i, 0)),
        out_shape=jax.ShapeDtypeStruct((B, E), jnp.float32),
        scratch_shapes=[
            pltpu.VMEM((V // 16, 16, E), jnp.bfloat16),
            pltpu.SemaphoreType.DMA,
        ],
    )


def _make_matmul(B, E, OUT, scale, bt):
    def mm_body(p_ref, w_ref, b_ref, o_ref):
        p = p_ref[...] * scale
        o_ref[...] = (
            lax.dot_general(
                p, w_ref[...], (((1,), (1,)), ((), ())),
                preferred_element_type=jnp.float32,
            )
            + b_ref[...]
        )

    return pl.pallas_call(
        mm_body,
        grid=(B // bt,),
        in_specs=[
            pl.BlockSpec((bt, E), lambda i: (i, 0)),
            pl.BlockSpec((OUT, E), lambda i: (0, 0)),
            pl.BlockSpec((1, OUT), lambda i: (0, 0)),
        ],
        out_specs=pl.BlockSpec((bt, OUT), lambda i: (i, 0)),
        out_shape=jax.ShapeDtypeStruct((B, OUT), jnp.float32),
    )


@jax.jit
def kernel(text, table, W, b):
    S, B = text.shape
    V, E = table.shape
    OUT = W.shape[0]
    nc, ns = _sc_worker_count()

    BSC = B
    text_t = jnp.transpose(text).astype(jnp.int32)

    SP = ((S + 1) // 2 + 7) // 8 * 8
    text_sc = jnp.pad(text_t[:BSC], ((0, 0), (0, 2 * SP - S)))
    text_sc = text_sc.reshape(2 * BSC, SP)

    table_bf = table.astype(jnp.bfloat16)
    table_i = lax.bitcast_convert_type(
        table_bf.reshape(V, E // 2, 2), jnp.int32
    )

    perm = np.arange(E).reshape(E // 32, 16, 2).transpose(0, 2, 1).reshape(E)
    W_p = W[:, perm]

    pooled_sc = _make_pool(V, E, BSC, SP, nc, ns)(text_sc, table_i)
    b2 = b.reshape(1, OUT)
    return _make_matmul(BSC, E, OUT, 1.0 / S, 512)(pooled_sc, W_p, b2)

# --- scband reference (transcript-rebuilt; emitter-appended) ---
"""Pipeline reference for scband-chat-bot-4758823764744 (READ-ONLY COPY).

The authoritative reference and input builder live on the scoring server;
editing this copy changes nothing except your own understanding.
"""

import jax, jax.numpy as jnp
import numpy as np

VOCAB = 100000
EMB = 128
OUT = 1000
PAD = 0
S = 200
B = 4096


def setup_inputs(seed: int = 0) -> dict:
    key = jax.random.key(seed)
    k1, k2, k3 = jax.random.split(key, 3)
    text = jax.random.randint(k1, (S, B), 0, VOCAB)
    table = jax.random.normal(k2, (VOCAB, EMB), dtype=jnp.float32)
    table = table.at[PAD].set(0.0)  # padding_idx row is zero
    W = jax.random.normal(k3, (OUT, EMB), dtype=jnp.float32) * 0.02
    b = jnp.zeros((OUT,), dtype=jnp.float32)
    return {"text": text, "table": table, "W": W, "b": b}


def reference(text, table, W, b):
    # embedded = self.embedding(text).permute(1, 0, 2)
    embedded = jnp.take(table, text, axis=0)        # [S, B, E]
    embedded = jnp.transpose(embedded, (1, 0, 2))   # [B, S, E]
    # F.avg_pool2d(embedded, (S, 1)).squeeze(1) == mean over seq dim
    pooled = jnp.mean(embedded, axis=1)             # [B, E]
    # self.out(pooled)
    return pooled @ W.T + b                         # [B, OUT]

if __name__ == "__main__":
    import jax
    _d = setup_inputs()
    print(jax.jit(kernel)(*tuple(_d.values())))

</pallas_src>

<mosaic_0001>
#map = affine_map<(d0, d1) -> (0, 0)>
module attributes {stable_mosaic.version = 14 : i64} {
  func.func @body(%arg0: i32, %arg1: i32, %arg2: memref<8192x104xi32, #tpu.memory_space<hbm>>, %arg3: memref<100000x64xi32, #tpu.memory_space<hbm>>, %arg4: memref<4096x128xf32, #tpu.memory_space<hbm>>, %arg5: memref<256x104xi32, #tpu.memory_space<vmem>>, %arg6: memref<416x64xi32, #tpu.memory_space<vmem>>, %arg7: memref<128x128xf32, #tpu.memory_space<vmem>>, %arg8: memref<!tpu.dma_semaphore, #tpu.memory_space<semaphore_mem>>, %arg9: memref<!tpu.dma_semaphore, #tpu.memory_space<semaphore_mem>>) attributes {dimension_semantics = [#tpu.dimension_semantics<core_parallel>, #tpu.dimension_semantics<subcore_parallel>], iteration_bounds = array<i64: 2, 16>, scalar_prefetch = 0 : i64, scratch_operands = 5 : i64, tpu.core_type = #tpu.core_type<sc_vector_subcore>, window_params = [{transform_indices = #map}, {transform_indices = #map}, {transform_indices = #map}]} {
    %mul3A = arith.constant 2 : i32
    %mul3A_0 = arith.muli %arg1, %mul3A : i32
    %add3A = arith.addi %mul3A_0, %arg0 : i32
    %mul3A_1 = arith.constant 128 : i32
    %mul3A_2 = arith.muli %add3A, %mul3A_1 : i32
    %mul3A_3 = arith.constant 2 : i32
    %mul3A_4 = arith.muli %mul3A_3, %mul3A_2 : i32
    "tpu.region"() ({
      %run_scoped3A = tpu.sem_alloc : memref<!tpu.dma_semaphore, #tpu.memory_space<semaphore_mem>>
      %dma_start3A_85 = arith.constant 0 : i32
      %dma_start3A_86 = tpu.memref_slice %arg2[%mul3A_4, %dma_start3A_85] : memref<8192x104xi32, #tpu.memory_space<hbm>> -> memref<256x104xi32, #tpu.memory_space<hbm>>
      %dma_start3A_87 = arith.constant 0 : i32
      %dma_start3A_88 = tpu.memref_slice %arg2[%mul3A_4, %dma_start3A_87] : memref<8192x104xi32, #tpu.memory_space<hbm>> -> memref<256x104xi32, #tpu.memory_space<hbm>>
      tpu.enqueue_dma source(%dma_start3A_88 : memref<256x104xi32, #tpu.memory_space<hbm>>) target(%arg5 : memref<256x104xi32, #tpu.memory_space<vmem>>) target_semaphore(%run_scoped3A : memref<!tpu.dma_semaphore, #tpu.memory_space<semaphore_mem>>)
      %dma_wait3A = arith.constant 0 : i32
      %dma_wait3A_89 = tpu.memref_slice %arg2[%mul3A_4, %dma_wait3A] : memref<8192x104xi32, #tpu.memory_space<hbm>> -> memref<256x104xi32, #tpu.memory_space<hbm>>
      %dma_wait3A_90 = arith.constant 0 : i32
      %dma_wait3A_91 = tpu.memref_slice %arg2[%mul3A_4, %dma_wait3A_90] : memref<8192x104xi32, #tpu.memory_space<hbm>> -> memref<256x104xi32, #tpu.memory_space<hbm>>
      tpu.wait_dma2 semaphore(%run_scoped3A : memref<!tpu.dma_semaphore, #tpu.memory_space<semaphore_mem>>) src(%dma_wait3A_91 : memref<256x104xi32, #tpu.memory_space<hbm>>) dst(%arg5 : memref<256x104xi32, #tpu.memory_space<vmem>>)
      tpu.yield
    }) : () -> ()
    %broadcast_in_dim3A = arith.constant 0.000000e+00 : f32
    %broadcast_in_dim3A_5 = vector.broadcast %broadcast_in_dim3A : f32 to vector<16xf32>
    %broadcast_in_dim3A_6 = arith.constant 0.000000e+00 : f32
    %broadcast_in_dim3A_7 = vector.broadcast %broadcast_in_dim3A_6 : f32 to vector<16xf32>
    %broadcast_in_dim3A_8 = arith.constant 0.000000e+00 : f32
    %broadcast_in_dim3A_9 = vector.broadcast %broadcast_in_dim3A_8 : f32 to vector<16xf32>
    %broadcast_in_dim3A_10 = arith.constant 0.000000e+00 : f32
    %broadcast_in_dim3A_11 = vector.broadcast %broadcast_in_dim3A_10 : f32 to vector<16xf32>
    %broadcast_in_dim3A_12 = arith.constant 0.000000e+00 : f32
    %broadcast_in_dim3A_13 = vector.broadcast %broadcast_in_dim3A_12 : f32 to vector<16xf32>
    %broadcast_in_dim3A_14 = arith.constant 0.000000e+00 : f32
    %broadcast_in_dim3A_15 = vector.broadcast %broadcast_in_dim3A_14 : f32 to vector<16xf32>
    %broadcast_in_dim3A_16 = arith.constant 0.000000e+00 : f32
    %broadcast_in_dim3A_17 = vector.broadcast %broadcast_in_dim3A_16 : f32 to vector<16xf32>
    %broadcast_in_dim3A_18 = arith.constant 0.000000e+00 : f32
    %broadcast_in_dim3A_19 = vector.broadcast %broadcast_in_dim3A_18 : f32 to vector<16xf32>
    %and3A = arith.constant 0 : i32
    %and3A_20 = arith.constant 3 : i32
    %and3A_21 = arith.andi %and3A, %and3A_20 : i32
    %mul3A_22 = arith.constant 104 : i32
    %mul3A_23 = arith.muli %and3A_21, %mul3A_22 : i32
    %dma_start3A = arith.constant 0 : i32
    %dma_start3A_24 = arith.constant 0 : i32
    %dma_start3A_25 = tpu.memref_slice %arg6[%mul3A_23, %dma_start3A_24] : memref<416x64xi32, #tpu.memory_space<vmem>> -> memref<104x64xi32, #tpu.memory_space<vmem>>
    %dma_start3A_26 = arith.constant 0 : i32
    %dma_start3A_27 = tpu.memref_slice %arg5[%dma_start3A, %dma_start3A_26] : memref<256x104xi32, #tpu.memory_space<vmem>> -> memref<1x104xi32, #tpu.memory_space<vmem>>
    %dma_start3A_28 = tpu.memref_squeeze %dma_start3A_27 : memref<1x104xi32, #tpu.memory_space<vmem>> -> memref<104xi32, #tpu.memory_space<vmem>>
    %dma_start3A_29 = arith.constant 0 : i32
    %dma_start3A_30 = arith.constant 0 : i32
    %dma_start3A_31 = tpu.memref_slice %arg3[%dma_start3A_29, %dma_start3A_30] : memref<100000x64xi32, #tpu.memory_space<hbm>> -> memref<100000x64xi32, #tpu.memory_space<hbm>>
    tpu.enqueue_indirect_dma source(%dma_start3A_31 : memref<100000x64xi32, #tpu.memory_space<hbm>>) target(%dma_start3A_25 : memref<104x64xi32, #tpu.memory_space<vmem>>) offsets(%dma_start3A_28 : memref<104xi32, #tpu.memory_space<vmem>>) semaphore(%arg8 : memref<!tpu.dma_semaphore, #tpu.memory_space<semaphore_mem>>)
    %and3A_32 = arith.constant 1 : i32
    %and3A_33 = arith.constant 3 : i32
    %and3A_34 = arith.andi %and3A_32, %and3A_33 : i32
    %mul3A_35 = arith.constant 104 : i32
    %mul3A_36 = arith.muli %and3A_34, %mul3A_35 : i32
    %dma_start3A_37 = arith.constant 1 : i32
    %dma_start3A_38 = arith.constant 0 : i32
    %dma_start3A_39 = tpu.memref_slice %arg6[%mul3A_36, %dma_start3A_38] : memref<416x64xi32, #tpu.memory_space<vmem>> -> memref<104x64xi32, #tpu.memory_space<vmem>>
    %dma_start3A_40 = arith.constant 0 : i32
    %dma_start3A_41 = tpu.memref_slice %arg5[%dma_start3A_37, %dma_start3A_40] : memref<256x104xi32, #tpu.memory_space<vmem>> -> memref<1x104xi32, #tpu.memory_space<vmem>>
    %dma_start3A_42 = tpu.memref_squeeze %dma_start3A_41 : memref<1x104xi32, #tpu.memory_space<vmem>> -> memref<104xi32, #tpu.memory_space<vmem>>
    %dma_start3A_43 = arith.constant 0 : i32
    %dma_start3A_44 = arith.constant 0 : i32
    %dma_start3A_45 = tpu.memref_slice %arg3[%dma_start3A_43, %dma_start3A_44] : memref<100000x64xi32, #tpu.memory_space<hbm>> -> memref<100000x64xi32, #tpu.memory_space<hbm>>
    tpu.enqueue_indirect_dma source(%dma_start3A_45 : memref<100000x64xi32, #tpu.memory_space<hbm>>) target(%dma_start3A_39 : memref<104x64xi32, #tpu.memory_space<vmem>>) offsets(%dma_start3A_42 : memref<104xi32, #tpu.memory_space<vmem>>) semaphore(%arg9 : memref<!tpu.dma_semaphore, #tpu.memory_space<semaphore_mem>>)
    %and3A_46 = arith.constant 2 : i32
    %and3A_47 = arith.constant 3 : i32
    %and3A_48 = arith.andi %and3A_46, %and3A_47 : i32
    %mul3A_49 = arith.constant 104 : i32
    %mul3A_50 = arith.muli %and3A_48, %mul3A_49 : i32
    %dma_start3A_51 = arith.constant 2 : i32
    %dma_start3A_52 = arith.constant 0 : i32
    %dma_start3A_53 = tpu.memref_slice %arg6[%mul3A_50, %dma_start3A_52] : memref<416x64xi32, #tpu.memory_space<vmem>> -> memref<104x64xi32, #tpu.memory_space<vmem>>
    %dma_start3A_54 = arith.constant 0 : i32
    %dma_start3A_55 = tpu.memref_slice %arg5[%dma_start3A_51, %dma_start3A_54] : memref<256x104xi32, #tpu.memory_space<vmem>> -> memref<1x104xi32, #tpu.memory_space<vmem>>
    %dma_start3A_56 = tpu.memref_squeeze %dma_start3A_55 : memref<1x104xi32, #tpu.memory_space<vmem>> -> memref<104xi32, #tpu.memory_space<vmem>>
    %dma_start3A_57 = arith.constant 0 : i32
    %dma_start3A_58 = arith.constant 0 : i32
    %dma_start3A_59 = tpu.memref_slice %arg3[%dma_start3A_57, %dma_start3A_58] : memref<100000x64xi32, #tpu.memory_space<hbm>> -> memref<100000x64xi32, #tpu.memory_space<hbm>>
    tpu.enqueue_indirect_dma source(%dma_start3A_59 : memref<100000x64xi32, #tpu.memory_space<hbm>>) target(%dma_start3A_53 : memref<104x64xi32, #tpu.memory_space<vmem>>) offsets(%dma_start3A_56 : memref<104xi32, #tpu.memory_space<vmem>>) semaphore(%arg8 : memref<!tpu.dma_semaphore, #tpu.memory_space<semaphore_mem>>)
    %and3A_60 = arith.constant 3 : i32
    %and3A_61 = arith.constant 3 : i32
    %and3A_62 = arith.andi %and3A_60, %and3A_61 : i32
    %mul3A_63 = arith.constant 104 : i32
    %mul3A_64 = arith.muli %and3A_62, %mul3A_63 : i32
    %dma_start3A_65 = arith.constant 3 : i32
    %dma_start3A_66 = arith.constant 0 : i32
    %dma_start3A_67 = tpu.memref_slice %arg6[%mul3A_64, %dma_start3A_66] : memref<416x64xi32, #tpu.memory_space<vmem>> -> memref<104x64xi32, #tpu.memory_space<vmem>>
    %dma_start3A_68 = arith.constant 0 : i32
    %dma_start3A_69 = tpu.memref_slice %arg5[%dma_start3A_65, %dma_start3A_68] : memref<256x104xi32, #tpu.memory_space<vmem>> -> memref<1x104xi32, #tpu.memory_space<vmem>>
    %dma_start3A_70 = tpu.memref_squeeze %dma_start3A_69 : memref<1x104xi32, #tpu.memory_space<vmem>> -> memref<104xi32, #tpu.memory_space<vmem>>
    %dma_start3A_71 = arith.constant 0 : i32
    %dma_start3A_72 = arith.constant 0 : i32
    %dma_start3A_73 = tpu.memref_slice %arg3[%dma_start3A_71, %dma_start3A_72] : memref<100000x64xi32, #tpu.memory_space<hbm>> -> memref<100000x64xi32, #tpu.memory_space<hbm>>
    tpu.enqueue_indirect_dma source(%dma_start3A_73 : memref<100000x64xi32, #tpu.memory_space<hbm>>) target(%dma_start3A_67 : memref<104x64xi32, #tpu.memory_space<vmem>>) offsets(%dma_start3A_70 : memref<104xi32, #tpu.memory_space<vmem>>) semaphore(%arg9 : memref<!tpu.dma_semaphore, #tpu.memory_space<semaphore_mem>>)
    %scan3A = arith.constant 0 : i32
    %scan3A_74 = arith.constant 0 : i32
    %scan3A_75 = arith.constant 126 : i32
    %scan3A_76 = arith.addi %scan3A_74, %scan3A_75 : i32
    %scan3A_77 = arith.constant 1 : i32
    scf.for %scan3A_85 = %scan3A_74 to %scan3A_76 step %scan3A_77  : i32 {
      %dma_wait3A = arith.constant 0 : i32
      %dma_wait3A_86 = arith.constant 0 : i32
      %dma_wait3A_87 = arith.constant 0 : i32
      %dma_wait3A_88 = tpu.memref_slice %arg6[%dma_wait3A_86, %dma_wait3A_87] : memref<416x64xi32, #tpu.memory_space<vmem>> -> memref<104x64xi32, #tpu.memory_space<vmem>>
      %dma_wait3A_89 = arith.constant 0 : i32
      %dma_wait3A_90 = tpu.memref_slice %arg5[%dma_wait3A, %dma_wait3A_89] : memref<256x104xi32, #tpu.memory_space<vmem>> -> memref<1x104xi32, #tpu.memory_space<vmem>>
      %dma_wait3A_91 = tpu.memref_squeeze %dma_wait3A_90 : memref<1x104xi32, #tpu.memory_space<vmem>> -> memref<104xi32, #tpu.memory_space<vmem>>
      %dma_wait3A_92 = arith.constant 0 : i32
      %dma_wait3A_93 = arith.constant 0 : i32
      %dma_wait3A_94 = tpu.memref_slice %arg3[%dma_wait3A_92, %dma_wait3A_93] : memref<100000x64xi32, #tpu.memory_space<hbm>> -> memref<100000x64xi32, #tpu.memory_space<hbm>>
      tpu.wait_indirect_dma semaphore(%arg8 : memref<!tpu.dma_semaphore, #tpu.memory_space<semaphore_mem>>) src(%dma_wait3A_94 : memref<100000x64xi32, #tpu.memory_space<hbm>>) dst(%dma_wait3A_88 : memref<104x64xi32, #tpu.memory_space<vmem>>)
      %mul3A_95 = arith.constant 2 : i32
      %mul3A_96 = arith.muli %mul3A_95, %scan3A_85 : i32
      %and3A_97 = arith.constant 3 : i32
      %and3A_98 = arith.andi %mul3A_96, %and3A_97 : i32
      %mul3A_99 = arith.constant 104 : i32
      %mul3A_100 = arith.muli %and3A_98, %mul3A_99 : i32
      %scan3A_101 = arith.constant 0 : i32
      %scan3A_102 = arith.constant 104 : i32
      %scan3A_103 = arith.addi %scan3A_101, %scan3A_102 : i32
      %scan3A_104 = arith.constant 1 : i32
      %scan3A_105:8 = scf.for %scan3A_204 = %scan3A_101 to %scan3A_103 step %scan3A_104 iter_args(%scan3A_205 = %broadcast_in_dim3A_5, %scan3A_206 = %broadcast_in_dim3A_7, %scan3A_207 = %broadcast_in_dim3A_9, %scan3A_208 = %broadcast_in_dim3A_11, %scan3A_209 = %broadcast_in_dim3A_13, %scan3A_210 = %broadcast_in_dim3A_15, %scan3A_211 = %broadcast_in_dim3A_17, %scan3A_212 = %broadcast_in_dim3A_19) -> (vector<16xf32>, vector<16xf32>, vector<16xf32>, vector<16xf32>, vector<16xf32>, vector<16xf32>, vector<16xf32>, vector<16xf32>)  : i32 {
        %add3A_213 = arith.addi %mul3A_100, %scan3A_204 : i32
        %get3A = arith.index_cast %add3A_213 : i32 to index
        %get3A_214 = arith.constant 0 : index
        %get3A_215 = tpu.vector_load %arg6[%get3A, %get3A_214] {strides = array<i32>} : memref<416x64xi32, #tpu.memory_space<vmem>>, vector<1x16xi32>,
        %get3A_216 = vector.shape_cast %get3A_215 : vector<1x16xi32> to vector<16xi32>
        %shift_left3A = arith.constant 16 : i32
        %shift_left3A_217 = vector.broadcast %shift_left3A : i32 to vector<16xi32>
        %shift_left3A_218 = arith.shli %get3A_216, %shift_left3A_217 : vector<16xi32>
        %bitcast_convert_type3A = tpu.bitcast %shift_left3A_218 : vector<16xi32> -> vector<16xf32>
        %and3A_219 = arith.constant -65536 : i32
        %and3A_220 = vector.broadcast %and3A_219 : i32 to vector<16xi32>
        %and3A_221 = arith.andi %get3A_216, %and3A_220 : vector<16xi32>
        %bitcast_convert_type3A_222 = tpu.bitcast %and3A_221 : vector<16xi32> -> vector<16xf32>
        %add3A_223 = arith.addf %scan3A_205, %bitcast_convert_type3A : vector<16xf32>
        %add3A_224 = arith.addf %scan3A_206, %bitcast_convert_type3A_222 : vector<16xf32>
        %add3A_225 = arith.addi %mul3A_100, %scan3A_204 : i32
        %get3A_226 = arith.index_cast %add3A_225 : i32 to index
        %get3A_227 = arith.constant 16 : index
        %get3A_228 = tpu.vector_load %arg6[%get3A_226, %get3A_227] {strides = array<i32>} : memref<416x64xi32, #tpu.memory_space<vmem>>, vector<1x16xi32>,
        %get3A_229 = vector.shape_cast %get3A_228 : vector<1x16xi32> to vector<16xi32>
        %shift_left3A_230 = arith.constant 16 : i32
        %shift_left3A_231 = vector.broadcast %shift_left3A_230 : i32 to vector<16xi32>
        %shift_left3A_232 = arith.shli %get3A_229, %shift_left3A_231 : vector<16xi32>
        %bitcast_convert_type3A_233 = tpu.bitcast %shift_left3A_232 : vector<16xi32> -> vector<16xf32>
        %and3A_234 = arith.constant -65536 : i32
        %and3A_235 = vector.broadcast %and3A_234 : i32 to vector<16xi32>
        %and3A_236 = arith.andi %get3A_229, %and3A_235 : vector<16xi32>
        %bitcast_convert_type3A_237 = tpu.bitcast %and3A_236 : vector<16xi32> -> vector<16xf32>
        %add3A_238 = arith.addf %scan3A_207, %bitcast_convert_type3A_233 : vector<16xf32>
        %add3A_239 = arith.addf %scan3A_208, %bitcast_convert_type3A_237 : vector<16xf32>
        %add3A_240 = arith.addi %mul3A_100, %scan3A_204 : i32
        %get3A_241 = arith.index_cast %add3A_240 : i32 to index
        %get3A_242 = arith.constant 32 : index
        %get3A_243 = tpu.vector_load %arg6[%get3A_241, %get3A_242] {strides = array<i32>} : memref<416x64xi32, #tpu.memory_space<vmem>>, vector<1x16xi32>,
        %get3A_244 = vector.shape_cast %get3A_243 : vector<1x16xi32> to vector<16xi32>
        %shift_left3A_245 = arith.constant 16 : i32
        %shift_left3A_246 = vector.broadcast %shift_left3A_245 : i32 to vector<16xi32>
        %shift_left3A_247 = arith.shli %get3A_244, %shift_left3A_246 : vector<16xi32>
        %bitcast_convert_type3A_248 = tpu.bitcast %shift_left3A_247 : vector<16xi32> -> vector<16xf32>
        %and3A_249 = arith.constant -65536 : i32
        %and3A_250 = vector.broadcast %and3A_249 : i32 to vector<16xi32>
        %and3A_251 = arith.andi %get3A_244, %and3A_250 : vector<16xi32>
        %bitcast_convert_type3A_252 = tpu.bitcast %and3A_251 : vector<16xi32> -> vector<16xf32>
        %add3A_253 = arith.addf %scan3A_209, %bitcast_convert_type3A_248 : vector<16xf32>
        %add3A_254 = arith.addf %scan3A_210, %bitcast_convert_type3A_252 : vector<16xf32>
        %add3A_255 = arith.addi %mul3A_100, %scan3A_204 : i32
        %get3A_256 = arith.index_cast %add3A_255 : i32 to index
        %get3A_257 = arith.constant 48 : index
        %get3A_258 = tpu.vector_load %arg6[%get3A_256, %get3A_257] {strides = array<i32>} : memref<416x64xi32, #tpu.memory_space<vmem>>, vector<1x16xi32>,
        %get3A_259 = vector.shape_cast %get3A_258 : vector<1x16xi32> to vector<16xi32>
        %shift_left3A_260 = arith.constant 16 : i32
        %shift_left3A_261 = vector.broadcast %shift_left3A_260 : i32 to vector<16xi32>
        %shift_left3A_262 = arith.shli %get3A_259, %shift_left3A_261 : vector<16xi32>
        %bitcast_convert_type3A_263 = tpu.bitcast %shift_left3A_262 : vector<16xi32> -> vector<16xf32>
        %and3A_264 = arith.constant -65536 : i32
        %and3A_265 = vector.broadcast %and3A_264 : i32 to vector<16xi32>
        %and3A_266 = arith.andi %get3A_259, %and3A_265 : vector<16xi32>
        %bitcast_convert_type3A_267 = tpu.bitcast %and3A_266 : vector<16xi32> -> vector<16xf32>
        %add3A_268 = arith.addf %scan3A_211, %bitcast_convert_type3A_263 : vector<16xf32>
        %add3A_269 = arith.addf %scan3A_212, %bitcast_convert_type3A_267 : vector<16xf32>
        scf.yield %add3A_223, %add3A_224, %add3A_238, %add3A_239, %add3A_253, %add3A_254, %add3A_268, %add3A_269 : vector<16xf32>, vector<16xf32>, vector<16xf32>, vector<16xf32>, vector<16xf32>, vector<16xf32>, vector<16xf32>, vector<16xf32>
      }
      %scan3A_106 = arith.constant 104 : i32
      %mul3A_107 = arith.constant 2 : i32
      %mul3A_108 = arith.muli %mul3A_107, %scan3A_85 : i32
      %add3A_109 = arith.constant 4 : i32
      %add3A_110 = arith.addi %mul3A_108, %add3A_109 : i32
      %and3A_111 = arith.constant 3 : i32
      %and3A_112 = arith.andi %add3A_110, %and3A_111 : i32
      %mul3A_113 = arith.constant 104 : i32
      %mul3A_114 = arith.muli %and3A_112, %mul3A_113 : i32
      %dma_start3A_115 = arith.constant 0 : i32
      %dma_start3A_116 = tpu.memref_slice %arg6[%mul3A_114, %dma_start3A_115] : memref<416x64xi32, #tpu.memory_space<vmem>> -> memref<104x64xi32, #tpu.memory_space<vmem>>
      %dma_start3A_117 = arith.constant 0 : i32
      %dma_start3A_118 = tpu.memref_slice %arg5[%add3A_110, %dma_start3A_117] : memref<256x104xi32, #tpu.memory_space<vmem>> -> memref<1x104xi32, #tpu.memory_space<vmem>>
      %dma_start3A_119 = tpu.memref_squeeze %dma_start3A_118 : memref<1x104xi32, #tpu.memory_space<vmem>> -> memref<104xi32, #tpu.memory_space<vmem>>
      %dma_start3A_120 = arith.constant 0 : i32
      %dma_start3A_121 = arith.constant 0 : i32
      %dma_start3A_122 = tpu.memref_slice %arg3[%dma_start3A_120, %dma_start3A_121] : memref<100000x64xi32, #tpu.memory_space<hbm>> -> memref<100000x64xi32, #tpu.memory_space<hbm>>
      tpu.enqueue_indirect_dma source(%dma_start3A_122 : memref<100000x64xi32, #tpu.memory_space<hbm>>) target(%dma_start3A_116 : memref<104x64xi32, #tpu.memory_space<vmem>>) offsets(%dma_start3A_119 : memref<104xi32, #tpu.memory_space<vmem>>) semaphore(%arg8 : memref<!tpu.dma_semaphore, #tpu.memory_space<semaphore_mem>>)
      %dma_wait3A_123 = arith.constant 0 : i32
      %dma_wait3A_124 = arith.constant 0 : i32
      %dma_wait3A_125 = arith.constant 0 : i32
      %dma_wait3A_126 = tpu.memref_slice %arg6[%dma_wait3A_124, %dma_wait3A_125] : memref<416x64xi32, #tpu.memory_space<vmem>> -> memref<104x64xi32, #tpu.memory_space<vmem>>
      %dma_wait3A_127 = arith.constant 0 : i32
      %dma_wait3A_128 = tpu.memref_slice %arg5[%dma_wait3A_123, %dma_wait3A_127] : memref<256x104xi32, #tpu.memory_space<vmem>> -> memref<1x104xi32, #tpu.memory_space<vmem>>
      %dma_wait3A_129 = tpu.memref_squeeze %dma_wait3A_128 : memref<1x104xi32, #tpu.memory_space<vmem>> -> memref<104xi32, #tpu.memory_space<vmem>>
      %dma_wait3A_130 = arith.constant 0 : i32
      %dma_wait3A_131 = arith.constant 0 : i32
      %dma_wait3A_132 = tpu.memref_slice %arg3[%dma_wait3A_130, %dma_wait3A_131] : memref<100000x64xi32, #tpu.memory_space<hbm>> -> memref<100000x64xi32, #tpu.memory_space<hbm>>
      tpu.wait_indirect_dma semaphore(%arg9 : memref<!tpu.dma_semaphore, #tpu.memory_space<semaphore_mem>>) src(%dma_wait3A_132 : memref<100000x64xi32, #tpu.memory_space<hbm>>) dst(%dma_wait3A_126 : memref<104x64xi32, #tpu.memory_space<vmem>>)
      %mul3A_133 = arith.constant 2 : i32
      %mul3A_134 = arith.muli %mul3A_133, %scan3A_85 : i32
      %add3A_135 = arith.constant 1 : i32
      %add3A_136 = arith.addi %mul3A_134, %add3A_135 : i32
      %and3A_137 = arith.constant 3 : i32
      %and3A_138 = arith.andi %add3A_136, %and3A_137 : i32
      %mul3A_139 = arith.constant 104 : i32
      %mul3A_140 = arith.muli %and3A_138, %mul3A_139 : i32
      %scan3A_141 = arith.constant 0 : i32
      %scan3A_142 = arith.constant 104 : i32
      %scan3A_143 = arith.addi %scan3A_141, %scan3A_142 : i32
      %scan3A_144 = arith.constant 1 : i32
      %scan3A_145:8 = scf.for %scan3A_204 = %scan3A_141 to %scan3A_143 step %scan3A_144 iter_args(%scan3A_205 = %scan3A_105#0, %scan3A_206 = %scan3A_105#1, %scan3A_207 = %scan3A_105#2, %scan3A_208 = %scan3A_105#3, %scan3A_209 = %scan3A_105#4, %scan3A_210 = %scan3A_105#5, %scan3A_211 = %scan3A_105#6, %scan3A_212 = %scan3A_105#7) -> (vector<16xf32>, vector<16xf32>, vector<16xf32>, vector<16xf32>, vector<16xf32>, vector<16xf32>, vector<16xf32>, vector<16xf32>)  : i32 {
        %add3A_213 = arith.addi %mul3A_140, %scan3A_204 : i32
        %get3A = arith.index_cast %add3A_213 : i32 to index
        %get3A_214 = arith.constant 0 : index
        %get3A_215 = tpu.vector_load %arg6[%get3A, %get3A_214] {strides = array<i32>} : memref<416x64xi32, #tpu.memory_space<vmem>>, vector<1x16xi32>,
        %get3A_216 = vector.shape_cast %get3A_215 : vector<1x16xi32> to vector<16xi32>
        %shift_left3A = arith.constant 16 : i32
        %shift_left3A_217 = vector.broadcast %shift_left3A : i32 to vector<16xi32>
        %shift_left3A_218 = arith.shli %get3A_216, %shift_left3A_217 : vector<16xi32>
        %bitcast_convert_type3A = tpu.bitcast %shift_left3A_218 : vector<16xi32> -> vector<16xf32>
        %and3A_219 = arith.constant -65536 : i32
        %and3A_220 = vector.broadcast %and3A_219 : i32 to vector<16xi32>
        %and3A_221 = arith.andi %get3A_216, %and3A_220 : vector<16xi32>
        %bitcast_convert_type3A_222 = tpu.bitcast %and3A_221 : vector<16xi32> -> vector<16xf32>
        %add3A_223 = arith.addf %scan3A_205, %bitcast_convert_type3A : vector<16xf32>
        %add3A_224 = arith.addf %scan3A_206, %bitcast_convert_type3A_222 : vector<16xf32>
        %add3A_225 = arith.addi %mul3A_140, %scan3A_204 : i32
        %get3A_226 = arith.index_cast %add3A_225 : i32 to index
        %get3A_227 = arith.constant 16 : index
        %get3A_228 = tpu.vector_load %arg6[%get3A_226, %get3A_227] {strides = array<i32>} : memref<416x64xi32, #tpu.memory_space<vmem>>, vector<1x16xi32>,
        %get3A_229 = vector.shape_cast %get3A_228 : vector<1x16xi32> to vector<16xi32>
        %shift_left3A_230 = arith.constant 16 : i32
        %shift_left3A_231 = vector.broadcast %shift_left3A_230 : i32 to vector<16xi32>
        %shift_left3A_232 = arith.shli %get3A_229, %shift_left3A_231 : vector<16xi32>
        %bitcast_convert_type3A_233 = tpu.bitcast %shift_left3A_232 : vector<16xi32> -> vector<16xf32>
        %and3A_234 = arith.constant -65536 : i32
        %and3A_235 = vector.broadcast %and3A_234 : i32 to vector<16xi32>
        %and3A_236 = arith.andi %get3A_229, %and3A_235 : vector<16xi32>
        %bitcast_convert_type3A_237 = tpu.bitcast %and3A_236 : vector<16xi32> -> vector<16xf32>
        %add3A_238 = arith.addf %scan3A_207, %bitcast_convert_type3A_233 : vector<16xf32>
        %add3A_239 = arith.addf %scan3A_208, %bitcast_convert_type3A_237 : vector<16xf32>
        %add3A_240 = arith.addi %mul3A_140, %scan3A_204 : i32
        %get3A_241 = arith.index_cast %add3A_240 : i32 to index
        %get3A_242 = arith.constant 32 : index
        %get3A_243 = tpu.vector_load %arg6[%get3A_241, %get3A_242] {strides = array<i32>} : memref<416x64xi32, #tpu.memory_space<vmem>>, vector<1x16xi32>,
        %get3A_244 = vector.shape_cast %get3A_243 : vector<1x16xi32> to vector<16xi32>
        %shift_left3A_245 = arith.constant 16 : i32
        %shift_left3A_246 = vector.broadcast %shift_left3A_245 : i32 to vector<16xi32>
        %shift_left3A_247 = arith.shli %get3A_244, %shift_left3A_246 : vector<16xi32>
        %bitcast_convert_type3A_248 = tpu.bitcast %shift_left3A_247 : vector<16xi32> -> vector<16xf32>
        %and3A_249 = arith.constant -65536 : i32
        %and3A_250 = vector.broadcast %and3A_249 : i32 to vector<16xi32>
        %and3A_251 = arith.andi %get3A_244, %and3A_250 : vector<16xi32>
        %bitcast_convert_type3A_252 = tpu.bitcast %and3A_251 : vector<16xi32> -> vector<16xf32>
        %add3A_253 = arith.addf %scan3A_209, %bitcast_convert_type3A_248 : vector<16xf32>
        %add3A_254 = arith.addf %scan3A_210, %bitcast_convert_type3A_252 : vector<16xf32>
        %add3A_255 = arith.addi %mul3A_140, %scan3A_204 : i32
        %get3A_256 = arith.index_cast %add3A_255 : i32 to index
        %get3A_257 = arith.constant 48 : index
        %get3A_258 = tpu.vector_load %arg6[%get3A_256, %get3A_257] {strides = array<i32>} : memref<416x64xi32, #tpu.memory_space<vmem>>, vector<1x16xi32>,
        %get3A_259 = vector.shape_cast %get3A_258 : vector<1x16xi32> to vector<16xi32>
        %shift_left3A_260 = arith.constant 16 : i32
        %shift_left3A_261 = vector.broadcast %shift_left3A_260 : i32 to vector<16xi32>
        %shift_left3A_262 = arith.shli %get3A_259, %shift_left3A_261 : vector<16xi32>
        %bitcast_convert_type3A_263 = tpu.bitcast %shift_left3A_262 : vector<16xi32> -> vector<16xf32>
        %and3A_264 = arith.constant -65536 : i32
        %and3A_265 = vector.broadcast %and3A_264 : i32 to vector<16xi32>
        %and3A_266 = arith.andi %get3A_259, %and3A_265 : vector<16xi32>
        %bitcast_convert_type3A_267 = tpu.bitcast %and3A_266 : vector<16xi32> -> vector<16xf32>
        %add3A_268 = arith.addf %scan3A_211, %bitcast_convert_type3A_263 : vector<16xf32>
        %add3A_269 = arith.addf %scan3A_212, %bitcast_convert_type3A_267 : vector<16xf32>
        scf.yield %add3A_223, %add3A_224, %add3A_238, %add3A_239, %add3A_253, %add3A_254, %add3A_268, %add3A_269 : vector<16xf32>, vector<16xf32>, vector<16xf32>, vector<16xf32>, vector<16xf32>, vector<16xf32>, vector<16xf32>, vector<16xf32>
      }
      %scan3A_146 = arith.constant 104 : i32
      %mul3A_147 = arith.constant 2 : i32
      %mul3A_148 = arith.muli %mul3A_147, %scan3A_85 : i32
      %add3A_149 = arith.constant 4 : i32
      %add3A_150 = arith.addi %mul3A_148, %add3A_149 : i32
      %add3A_151 = arith.constant 1 : i32
      %add3A_152 = arith.addi %add3A_150, %add3A_151 : i32
      %and3A_153 = arith.constant 3 : i32
      %and3A_154 = arith.andi %add3A_152, %and3A_153 : i32
      %mul3A_155 = arith.constant 104 : i32
      %mul3A_156 = arith.muli %and3A_154, %mul3A_155 : i32
      %dma_start3A_157 = arith.constant 0 : i32
      %dma_start3A_158 = tpu.memref_slice %arg6[%mul3A_156, %dma_start3A_157] : memref<416x64xi32, #tpu.memory_space<vmem>> -> memref<104x64xi32, #tpu.memory_space<vmem>>
      %dma_start3A_159 = arith.constant 0 : i32
      %dma_start3A_160 = tpu.memref_slice %arg5[%add3A_152, %dma_start3A_159] : memref<256x104xi32, #tpu.memory_space<vmem>> -> memref<1x104xi32, #tpu.memory_space<vmem>>
      %dma_start3A_161 = tpu.memref_squeeze %dma_start3A_160 : memref<1x104xi32, #tpu.memory_space<vmem>> -> memref<104xi32, #tpu.memory_space<vmem>>
      %dma_start3A_162 = arith.constant 0 : i32
      %dma_start3A_163 = arith.constant 0 : i32
      %dma_start3A_164 = tpu.memref_slice %arg3[%dma_start3A_162, %dma_start3A_163] : memref<100000x64xi32, #tpu.memory_space<hbm>> -> memref<100000x64xi32, #tpu.memory_space<hbm>>
      tpu.enqueue_indirect_dma source(%dma_start3A_164 : memref<100000x64xi32, #tpu.memory_space<hbm>>) target(%dma_start3A_158 : memref<104x64xi32, #tpu.memory_space<vmem>>) offsets(%dma_start3A_161 : memref<104xi32, #tpu.memory_space<vmem>>) semaphore(%arg9 : memref<!tpu.dma_semaphore, #tpu.memory_space<semaphore_mem>>)
      %swap3A = arith.index_cast %scan3A_85 : i32 to index
      %swap3A_165 = arith.constant 0 : index
      %swap3A_166 = tpu.vector_load %arg7[%swap3A, %swap3A_165] {strides = array<i32>} : memref<128x128xf32, #tpu.memory_space<vmem>>, vector<1x16xf32>,
      %swap3A_167 = vector.shape_cast %swap3A_166 : vector<1x16xf32> to vector<16xf32>
      %swap3A_168 = vector.shape_cast %scan3A_145#0 : vector<16xf32> to vector<1x16xf32>
      tpu.vector_store %arg7[%swap3A, %swap3A_165], %swap3A_168 {strides = array<i32>} : memref<128x128xf32, #tpu.memory_space<vmem>>, vector<1x16xf32>,
      %swap3A_169 = arith.index_cast %scan3A_85 : i32 to index
      %swap3A_170 = arith.constant 16 : index
      %swap3A_171 = tpu.vector_load %arg7[%swap3A_169, %swap3A_170] {strides = array<i32>} : memref<128x128xf32, #tpu.memory_space<vmem>>, vector<1x16xf32>,
      %swap3A_172 = vector.shape_cast %swap3A_171 : vector<1x16xf32> to vector<16xf32>
      %swap3A_173 = vector.shape_cast %scan3A_145#1 : vector<16xf32> to vector<1x16xf32>
      tpu.vector_store %arg7[%swap3A_169, %swap3A_170], %swap3A_173 {strides = array<i32>} : memref<128x128xf32, #tpu.memory_space<vmem>>, vector<1x16xf32>,
      %swap3A_174 = arith.index_cast %scan3A_85 : i32 to index
      %swap3A_175 = arith.constant 32 : index
      %swap3A_176 = tpu.vector_load %arg7[%swap3A_174, %swap3A_175] {strides = array<i32>} : memref<128x128xf32, #tpu.memory_space<vmem>>, vector<1x16xf32>,
      %swap3A_177 = vector.shape_cast %swap3A_176 : vector<1x16xf32> to vector<16xf32>
      %swap3A_178 = vector.shape_cast %scan3A_145#2 : vector<16xf32> to vector<1x16xf32>
      tpu.vector_store %arg7[%swap3A_174, %swap3A_175], %swap3A_178 {strides = array<i32>} : memref<128x128xf32, #tpu.memory_space<vmem>>, vector<1x16xf32>,
      %swap3A_179 = arith.index_cast %scan3A_85 : i32 to index
      %swap3A_180 = arith.constant 48 : index
      %swap3A_181 = tpu.vector_load %arg7[%swap3A_179, %swap3A_180] {strides = array<i32>} : memref<128x128xf32, #tpu.memory_space<vmem>>, vector<1x16xf32>,
      %swap3A_182 = vector.shape_cast %swap3A_181 : vector<1x16xf32> to vector<16xf32>
      %swap3A_183 = vector.shape_cast %scan3A_145#3 : vector<16xf32> to vector<1x16xf32>
      tpu.vector_store %arg7[%swap3A_179, %swap3A_180], %swap3A_183 {strides = array<i32>} : memref<128x128xf32, #tpu.memory_space<vmem>>, vector<1x16xf32>,
      %swap3A_184 = arith.index_cast %scan3A_85 : i32 to index
      %swap3A_185 = arith.constant 64 : index
      %swap3A_186 = tpu.vector_load %arg7[%swap3A_184, %swap3A_185] {strides = array<i32>} : memref<128x128xf32, #tpu.memory_space<vmem>>, vector<1x16xf32>,
      %swap3A_187 = vector.shape_cast %swap3A_186 : vector<1x16xf32> to vector<16xf32>
      %swap3A_188 = vector.shape_cast %scan3A_145#4 : vector<16xf32> to vector<1x16xf32>
      tpu.vector_store %arg7[%swap3A_184, %swap3A_185], %swap3A_188 {strides = array<i32>} : memref<128x128xf32, #tpu.memory_space<vmem>>, vector<1x16xf32>,
      %swap3A_189 = arith.index_cast %scan3A_85 : i32 to index
      %swap3A_190 = arith.constant 80 : index
      %swap3A_191 = tpu.vector_load %arg7[%swap3A_189, %swap3A_190] {strides = array<i32>} : memref<128x128xf32, #tpu.memory_space<vmem>>, vector<1x16xf32>,
      %swap3A_192 = vector.shape_cast %swap3A_191 : vector<1x16xf32> to vector<16xf32>
      %swap3A_193 = vector.shape_cast %scan3A_145#5 : vector<16xf32> to vector<1x16xf32>
      tpu.vector_store %arg7[%swap3A_189, %swap3A_190], %swap3A_193 {strides = array<i32>} : memref<128x128xf32, #tpu.memory_space<vmem>>, vector<1x16xf32>,
      %swap3A_194 = arith.index_cast %scan3A_85 : i32 to index
      %swap3A_195 = arith.constant 96 : index
      %swap3A_196 = tpu.vector_load %arg7[%swap3A_194, %swap3A_195] {strides = array<i32>} : memref<128x128xf32, #tpu.memory_space<vmem>>, vector<1x16xf32>,
      %swap3A_197 = vector.shape_cast %swap3A_196 : vector<1x16xf32> to vector<16xf32>
      %swap3A_198 = vector.shape_cast %scan3A_145#6 : vector<16xf32> to vector<1x16xf32>
      tpu.vector_store %arg7[%swap3A_194, %swap3A_195], %swap3A_198 {strides = array<i32>} : memref<128x128xf32, #tpu.memory_space<vmem>>, vector<1x16xf32>,
      %swap3A_199 = arith.index_cast %scan3A_85 : i32 to index
      %swap3A_200 = arith.constant 112 : index
      %swap3A_201 = tpu.vector_load %arg7[%swap3A_199, %swap3A_200] {strides = array<i32>} : memref<128x128xf32, #tpu.memory_space<vmem>>, vector<1x16xf32>,
      %swap3A_202 = vector.shape_cast %swap3A_201 : vector<1x16xf32> to vector<16xf32>
      %swap3A_203 = vector.shape_cast %scan3A_145#7 : vector<16xf32> to vector<1x16xf32>
      tpu.vector_store %arg7[%swap3A_199, %swap3A_200], %swap3A_203 {strides = array<i32>} : memref<128x128xf32, #tpu.memory_space<vmem>>, vector<1x16xf32>,
    }
    %scan3A_78 = arith.constant 126 : i32
    %scan3A_79 = arith.constant 0 : i32
    %scan3A_80 = arith.constant 126 : i32
    %scan3A_81 = arith.constant 2 : i32
    %scan3A_82 = arith.addi %scan3A_80, %scan3A_81 : i32
    %scan3A_83 = arith.constant 1 : i32
    scf.for %scan3A_85 = %scan3A_80 to %scan3A_82 step %scan3A_83  : i32 {
      %dma_wait3A = arith.constant 0 : i32
      %dma_wait3A_86 = arith.constant 0 : i32
      %dma_wait3A_87 = arith.constant 0 : i32
      %dma_wait3A_88 = tpu.memref_slice %arg6[%dma_wait3A_86, %dma_wait3A_87] : memref<416x64xi32, #tpu.memory_space<vmem>> -> memref<104x64xi32, #tpu.memory_space<vmem>>
      %dma_wait3A_89 = arith.constant 0 : i32
      %dma_wait3A_90 = tpu.memref_slice %arg5[%dma_wait3A, %dma_wait3A_89] : memref<256x104xi32, #tpu.memory_space<vmem>> -> memref<1x104xi32, #tpu.memory_space<vmem>>
      %dma_wait3A_91 = tpu.memref_squeeze %dma_wait3A_90 : memref<1x104xi32, #tpu.memory_space<vmem>> -> memref<104xi32, #tpu.memory_space<vmem>>
      %dma_wait3A_92 = arith.constant 0 : i32
      %dma_wait3A_93 = arith.constant 0 : i32
      %dma_wait3A_94 = tpu.memref_slice %arg3[%dma_wait3A_92, %dma_wait3A_93] : memref<100000x64xi32, #tpu.memory_space<hbm>> -> memref<100000x64xi32, #tpu.memory_space<hbm>>
      tpu.wait_indirect_dma semaphore(%arg8 : memref<!tpu.dma_semaphore, #tpu.memory_space<semaphore_mem>>) src(%dma_wait3A_94 : memref<100000x64xi32, #tpu.memory_space<hbm>>) dst(%dma_wait3A_88 : memref<104x64xi32, #tpu.memory_space<vmem>>)
      %mul3A_95 = arith.constant 2 : i32
      %mul3A_96 = arith.muli %mul3A_95, %scan3A_85 : i32
      %and3A_97 = arith.constant 3 : i32
      %and3A_98 = arith.andi %mul3A_96, %and3A_97 : i32
      %mul3A_99 = arith.constant 104 : i32
      %mul3A_100 = arith.muli %and3A_98, %mul3A_99 : i32
      %scan3A_101 = arith.constant 0 : i32
      %scan3A_102 = arith.constant 104 : i32
      %scan3A_103 = arith.addi %scan3A_101, %scan3A_102 : i32
      %scan3A_104 = arith.constant 1 : i32
      %scan3A_105:8 = scf.for %scan3A_170 = %scan3A_101 to %scan3A_103 step %scan3A_104 iter_args(%scan3A_171 = %broadcast_in_dim3A_5, %scan3A_172 = %broadcast_in_dim3A_7, %scan3A_173 = %broadcast_in_dim3A_9, %scan3A_174 = %broadcast_in_dim3A_11, %scan3A_175 = %broadcast_in_dim3A_13, %scan3A_176 = %broadcast_in_dim3A_15, %scan3A_177 = %broadcast_in_dim3A_17, %scan3A_178 = %broadcast_in_dim3A_19) -> (vector<16xf32>, vector<16xf32>, vector<16xf32>, vector<16xf32>, vector<16xf32>, vector<16xf32>, vector<16xf32>, vector<16xf32>)  : i32 {
        %add3A_179 = arith.addi %mul3A_100, %scan3A_170 : i32
        %get3A = arith.index_cast %add3A_179 : i32 to index
        %get3A_180 = arith.constant 0 : index
        %get3A_181 = tpu.vector_load %arg6[%get3A, %get3A_180] {strides = array<i32>} : memref<416x64xi32, #tpu.memory_space<vmem>>, vector<1x16xi32>,
        %get3A_182 = vector.shape_cast %get3A_181 : vector<1x16xi32> to vector<16xi32>
        %shift_left3A = arith.constant 16 : i32
        %shift_left3A_183 = vector.broadcast %shift_left3A : i32 to vector<16xi32>
        %shift_left3A_184 = arith.shli %get3A_182, %shift_left3A_183 : vector<16xi32>
        %bitcast_convert_type3A = tpu.bitcast %shift_left3A_184 : vector<16xi32> -> vector<16xf32>
        %and3A_185 = arith.constant -65536 : i32
        %and3A_186 = vector.broadcast %and3A_185 : i32 to vector<16xi32>
        %and3A_187 = arith.andi %get3A_182, %and3A_186 : vector<16xi32>
        %bitcast_convert_type3A_188 = tpu.bitcast %and3A_187 : vector<16xi32> -> vector<16xf32>
        %add3A_189 = arith.addf %scan3A_171, %bitcast_convert_type3A : vector<16xf32>
        %add3A_190 = arith.addf %scan3A_172, %bitcast_convert_type3A_188 : vector<16xf32>
        %add3A_191 = arith.addi %mul3A_100, %scan3A_170 : i32
        %get3A_192 = arith.index_cast %add3A_191 : i32 to index
        %get3A_193 = arith.constant 16 : index
        %get3A_194 = tpu.vector_load %arg6[%get3A_192, %get3A_193] {strides = array<i32>} : memref<416x64xi32, #tpu.memory_space<vmem>>, vector<1x16xi32>,
        %get3A_195 = vector.shape_cast %get3A_194 : vector<1x16xi32> to vector<16xi32>
        %shift_left3A_196 = arith.constant 16 : i32
        %shift_left3A_197 = vector.broadcast %shift_left3A_196 : i32 to vector<16xi32>
        %shift_left3A_198 = arith.shli %get3A_195, %shift_left3A_197 : vector<16xi32>
        %bitcast_convert_type3A_199 = tpu.bitcast %shift_left3A_198 : vector<16xi32> -> vector<16xf32>
        %and3A_200 = arith.constant -65536 : i32
        %and3A_201 = vector.broadcast %and3A_200 : i32 to vector<16xi32>
        %and3A_202 = arith.andi %get3A_195, %and3A_201 : vector<16xi32>
        %bitcast_convert_type3A_203 = tpu.bitcast %and3A_202 : vector<16xi32> -> vector<16xf32>
        %add3A_204 = arith.addf %scan3A_173, %bitcast_convert_type3A_199 : vector<16xf32>
        %add3A_205 = arith.addf %scan3A_174, %bitcast_convert_type3A_203 : vector<16xf32>
        %add3A_206 = arith.addi %mul3A_100, %scan3A_170 : i32
        %get3A_207 = arith.index_cast %add3A_206 : i32 to index
        %get3A_208 = arith.constant 32 : index
        %get3A_209 = tpu.vector_load %arg6[%get3A_207, %get3A_208] {strides = array<i32>} : memref<416x64xi32, #tpu.memory_space<vmem>>, vector<1x16xi32>,
        %get3A_210 = vector.shape_cast %get3A_209 : vector<1x16xi32> to vector<16xi32>
        %shift_left3A_211 = arith.constant 16 : i32
        %shift_left3A_212 = vector.broadcast %shift_left3A_211 : i32 to vector<16xi32>
        %shift_left3A_213 = arith.shli %get3A_210, %shift_left3A_212 : vector<16xi32>
        %bitcast_convert_type3A_214 = tpu.bitcast %shift_left3A_213 : vector<16xi32> -> vector<16xf32>
        %and3A_215 = arith.constant -65536 : i32
        %and3A_216 = vector.broadcast %and3A_215 : i32 to vector<16xi32>
        %and3A_217 = arith.andi %get3A_210, %and3A_216 : vector<16xi32>
        %bitcast_convert_type3A_218 = tpu.bitcast %and3A_217 : vector<16xi32> -> vector<16xf32>
        %add3A_219 = arith.addf %scan3A_175, %bitcast_convert_type3A_214 : vector<16xf32>
        %add3A_220 = arith.addf %scan3A_176, %bitcast_convert_type3A_218 : vector<16xf32>
        %add3A_221 = arith.addi %mul3A_100, %scan3A_170 : i32
        %get3A_222 = arith.index_cast %add3A_221 : i32 to index
        %get3A_223 = arith.constant 48 : index
        %get3A_224 = tpu.vector_load %arg6[%get3A_222, %get3A_223] {strides = array<i32>} : memref<416x64xi32, #tpu.memory_space<vmem>>, vector<1x16xi32>,
        %get3A_225 = vector.shape_cast %get3A_224 : vector<1x16xi32> to vector<16xi32>
        %shift_left3A_226 = arith.constant 16 : i32
        %shift_left3A_227 = vector.broadcast %shift_left3A_226 : i32 to vector<16xi32>
        %shift_left3A_228 = arith.shli %get3A_225, %shift_left3A_227 : vector<16xi32>
        %bitcast_convert_type3A_229 = tpu.bitcast %shift_left3A_228 : vector<16xi32> -> vector<16xf32>
        %and3A_230 = arith.constant -65536 : i32
        %and3A_231 = vector.broadcast %and3A_230 : i32 to vector<16xi32>
        %and3A_232 = arith.andi %get3A_225, %and3A_231 : vector<16xi32>
        %bitcast_convert_type3A_233 = tpu.bitcast %and3A_232 : vector<16xi32> -> vector<16xf32>
        %add3A_234 = arith.addf %scan3A_177, %bitcast_convert_type3A_229 : vector<16xf32>
        %add3A_235 = arith.addf %scan3A_178, %bitcast_convert_type3A_233 : vector<16xf32>
        scf.yield %add3A_189, %add3A_190, %add3A_204, %add3A_205, %add3A_219, %add3A_220, %add3A_234, %add3A_235 : vector<16xf32>, vector<16xf32>, vector<16xf32>, vector<16xf32>, vector<16xf32>, vector<16xf32>, vector<16xf32>, vector<16xf32>
      }
      %scan3A_106 = arith.constant 104 : i32
      %dma_wait3A_107 = arith.constant 0 : i32
      %dma_wait3A_108 = arith.constant 0 : i32
      %dma_wait3A_109 = arith.constant 0 : i32
      %dma_wait3A_110 = tpu.memref_slice %arg6[%dma_wait3A_108, %dma_wait3A_109] : memref<416x64xi32, #tpu.memory_space<vmem>> -> memref<104x64xi32, #tpu.memory_space<vmem>>
      %dma_wait3A_111 = arith.constant 0 : i32
      %dma_wait3A_112 = tpu.memref_slice %arg5[%dma_wait3A_107, %dma_wait3A_111] : memref<256x104xi32, #tpu.memory_space<vmem>> -> memref<1x104xi32, #tpu.memory_space<vmem>>
      %dma_wait3A_113 = tpu.memref_squeeze %dma_wait3A_112 : memref<1x104xi32, #tpu.memory_space<vmem>> -> memref<104xi32, #tpu.memory_space<vmem>>
      %dma_wait3A_114 = arith.constant 0 : i32
      %dma_wait3A_115 = arith.constant 0 : i32
      %dma_wait3A_116 = tpu.memref_slice %arg3[%dma_wait3A_114, %dma_wait3A_115] : memref<100000x64xi32, #tpu.memory_space<hbm>> -> memref<100000x64xi32, #tpu.memory_space<hbm>>
      tpu.wait_indirect_dma semaphore(%arg9 : memref<!tpu.dma_semaphore, #tpu.memory_space<semaphore_mem>>) src(%dma_wait3A_116 : memref<100000x64xi32, #tpu.memory_space<hbm>>) dst(%dma_wait3A_110 : memref<104x64xi32, #tpu.memory_space<vmem>>)
      %mul3A_117 = arith.constant 2 : i32
      %mul3A_118 = arith.muli %mul3A_117, %scan3A_85 : i32
      %add3A_119 = arith.constant 1 : i32
      %add3A_120 = arith.addi %mul3A_118, %add3A_119 : i32
      %and3A_121 = arith.constant 3 : i32
      %and3A_122 = arith.andi %add3A_120, %and3A_121 : i32
      %mul3A_123 = arith.constant 104 : i32
      %mul3A_124 = arith.muli %and3A_122, %mul3A_123 : i32
      %scan3A_125 = arith.constant 0 : i32
      %scan3A_126 = arith.constant 104 : i32
      %scan3A_127 = arith.addi %scan3A_125, %scan3A_126 : i32
      %scan3A_128 = arith.constant 1 : i32
      %scan3A_129:8 = scf.for %scan3A_170 = %scan3A_125 to %scan3A_127 step %scan3A_128 iter_args(%scan3A_171 = %scan3A_105#0, %scan3A_172 = %scan3A_105#1, %scan3A_173 = %scan3A_105#2, %scan3A_174 = %scan3A_105#3, %scan3A_175 = %scan3A_105#4, %scan3A_176 = %scan3A_105#5, %scan3A_177 = %scan3A_105#6, %scan3A_178 = %scan3A_105#7) -> (vector<16xf32>, vector<16xf32>, vector<16xf32>, vector<16xf32>, vector<16xf32>, vector<16xf32>, vector<16xf32>, vector<16xf32>)  : i32 {
        %add3A_179 = arith.addi %mul3A_124, %scan3A_170 : i32
        %get3A = arith.index_cast %add3A_179 : i32 to index
        %get3A_180 = arith.constant 0 : index
        %get3A_181 = tpu.vector_load %arg6[%get3A, %get3A_180] {strides = array<i32>} : memref<416x64xi32, #tpu.memory_space<vmem>>, vector<1x16xi32>,
        %get3A_182 = vector.shape_cast %get3A_181 : vector<1x16xi32> to vector<16xi32>
        %shift_left3A = arith.constant 16 : i32
        %shift_left3A_183 = vector.broadcast %shift_left3A : i32 to vector<16xi32>
        %shift_left3A_184 = arith.shli %get3A_182, %shift_left3A_183 : vector<16xi32>
        %bitcast_convert_type3A = tpu.bitcast %shift_left3A_184 : vector<16xi32> -> vector<16xf32>
        %and3A_185 = arith.constant -65536 : i32
        %and3A_186 = vector.broadcast %and3A_185 : i32 to vector<16xi32>
        %and3A_187 = arith.andi %get3A_182, %and3A_186 : vector<16xi32>
        %bitcast_convert_type3A_188 = tpu.bitcast %and3A_187 : vector<16xi32> -> vector<16xf32>
        %add3A_189 = arith.addf %scan3A_171, %bitcast_convert_type3A : vector<16xf32>
        %add3A_190 = arith.addf %scan3A_172, %bitcast_convert_type3A_188 : vector<16xf32>
        %add3A_191 = arith.addi %mul3A_124, %scan3A_170 : i32
        %get3A_192 = arith.index_cast %add3A_191 : i32 to index
        %get3A_193 = arith.constant 16 : index
        %get3A_194 = tpu.vector_load %arg6[%get3A_192, %get3A_193] {strides = array<i32>} : memref<416x64xi32, #tpu.memory_space<vmem>>, vector<1x16xi32>,
        %get3A_195 = vector.shape_cast %get3A_194 : vector<1x16xi32> to vector<16xi32>
        %shift_left3A_196 = arith.constant 16 : i32
        %shift_left3A_197 = vector.broadcast %shift_left3A_196 : i32 to vector<16xi32>
        %shift_left3A_198 = arith.shli %get3A_195, %shift_left3A_197 : vector<16xi32>
        %bitcast_convert_type3A_199 = tpu.bitcast %shift_left3A_198 : vector<16xi32> -> vector<16xf32>
        %and3A_200 = arith.constant -65536 : i32
        %and3A_201 = vector.broadcast %and3A_200 : i32 to vector<16xi32>
        %and3A_202 = arith.andi %get3A_195, %and3A_201 : vector<16xi32>
        %bitcast_convert_type3A_203 = tpu.bitcast %and3A_202 : vector<16xi32> -> vector<16xf32>
        %add3A_204 = arith.addf %scan3A_173, %bitcast_convert_type3A_199 : vector<16xf32>
        %add3A_205 = arith.addf %scan3A_174, %bitcast_convert_type3A_203 : vector<16xf32>
        %add3A_206 = arith.addi %mul3A_124, %scan3A_170 : i32
        %get3A_207 = arith.index_cast %add3A_206 : i32 to index
        %get3A_208 = arith.constant 32 : index
        %get3A_209 = tpu.vector_load %arg6[%get3A_207, %get3A_208] {strides = array<i32>} : memref<416x64xi32, #tpu.memory_space<vmem>>, vector<1x16xi32>,
        %get3A_210 = vector.shape_cast %get3A_209 : vector<1x16xi32> to vector<16xi32>
        %shift_left3A_211 = arith.constant 16 : i32
        %shift_left3A_212 = vector.broadcast %shift_left3A_211 : i32 to vector<16xi32>
        %shift_left3A_213 = arith.shli %get3A_210, %shift_left3A_212 : vector<16xi32>
        %bitcast_convert_type3A_214 = tpu.bitcast %shift_left3A_213 : vector<16xi32> -> vector<16xf32>
        %and3A_215 = arith.constant -65536 : i32
        %and3A_216 = vector.broadcast %and3A_215 : i32 to vector<16xi32>
        %and3A_217 = arith.andi %get3A_210, %and3A_216 : vector<16xi32>
        %bitcast_convert_type3A_218 = tpu.bitcast %and3A_217 : vector<16xi32> -> vector<16xf32>
        %add3A_219 = arith.addf %scan3A_175, %bitcast_convert_type3A_214 : vector<16xf32>
        %add3A_220 = arith.addf %scan3A_176, %bitcast_convert_type3A_218 : vector<16xf32>
        %add3A_221 = arith.addi %mul3A_124, %scan3A_170 : i32
        %get3A_222 = arith.index_cast %add3A_221 : i32 to index
        %get3A_223 = arith.constant 48 : index
        %get3A_224 = tpu.vector_load %arg6[%get3A_222, %get3A_223] {strides = array<i32>} : memref<416x64xi32, #tpu.memory_space<vmem>>, vector<1x16xi32>,
        %get3A_225 = vector.shape_cast %get3A_224 : vector<1x16xi32> to vector<16xi32>
        %shift_left3A_226 = arith.constant 16 : i32
        %shift_left3A_227 = vector.broadcast %shift_left3A_226 : i32 to vector<16xi32>
        %shift_left3A_228 = arith.shli %get3A_225, %shift_left3A_227 : vector<16xi32>
        %bitcast_convert_type3A_229 = tpu.bitcast %shift_left3A_228 : vector<16xi32> -> vector<16xf32>
        %and3A_230 = arith.constant -65536 : i32
        %and3A_231 = vector.broadcast %and3A_230 : i32 to vector<16xi32>
        %and3A_232 = arith.andi %get3A_225, %and3A_231 : vector<16xi32>
        %bitcast_convert_type3A_233 = tpu.bitcast %and3A_232 : vector<16xi32> -> vector<16xf32>
        %add3A_234 = arith.addf %scan3A_177, %bitcast_convert_type3A_229 : vector<16xf32>
        %add3A_235 = arith.addf %scan3A_178, %bitcast_convert_type3A_233 : vector<16xf32>
        scf.yield %add3A_189, %add3A_190, %add3A_204, %add3A_205, %add3A_219, %add3A_220, %add3A_234, %add3A_235 : vector<16xf32>, vector<16xf32>, vector<16xf32>, vector<16xf32>, vector<16xf32>, vector<16xf32>, vector<16xf32>, vector<16xf32>
      }
      %scan3A_130 = arith.constant 104 : i32
      %swap3A = arith.index_cast %scan3A_85 : i32 to index
      %swap3A_131 = arith.constant 0 : index
      %swap3A_132 = tpu.vector_load %arg7[%swap3A, %swap3A_131] {strides = array<i32>} : memref<128x128xf32, #tpu.memory_space<vmem>>, vector<1x16xf32>,
      %swap3A_133 = vector.shape_cast %swap3A_132 : vector<1x16xf32> to vector<16xf32>
      %swap3A_134 = vector.shape_cast %scan3A_129#0 : vector<16xf32> to vector<1x16xf32>
      tpu.vector_store %arg7[%swap3A, %swap3A_131], %swap3A_134 {strides = array<i32>} : memref<128x128xf32, #tpu.memory_space<vmem>>, vector<1x16xf32>,
      %swap3A_135 = arith.index_cast %scan3A_85 : i32 to index
      %swap3A_136 = arith.constant 16 : index
      %swap3A_137 = tpu.vector_load %arg7[%swap3A_135, %swap3A_136] {strides = array<i32>} : memref<128x128xf32, #tpu.memory_space<vmem>>, vector<1x16xf32>,
      %swap3A_138 = vector.shape_cast %swap3A_137 : vector<1x16xf32> to vector<16xf32>
      %swap3A_139 = vector.shape_cast %scan3A_129#1 : vector<16xf32> to vector<1x16xf32>
      tpu.vector_store %arg7[%swap3A_135, %swap3A_136], %swap3A_139 {strides = array<i32>} : memref<128x128xf32, #tpu.memory_space<vmem>>, vector<1x16xf32>,
      %swap3A_140 = arith.index_cast %scan3A_85 : i32 to index
      %swap3A_141 = arith.constant 32 : index
      %swap3A_142 = tpu.vector_load %arg7[%swap3A_140, %swap3A_141] {strides = array<i32>} : memref<128x128xf32, #tpu.memory_space<vmem>>, vector<1x16xf32>,
      %swap3A_143 = vector.shape_cast %swap3A_142 : vector<1x16xf32> to vector<16xf32>
      %swap3A_144 = vector.shape_cast %scan3A_129#2 : vector<16xf32> to vector<1x16xf32>
      tpu.vector_store %arg7[%swap3A_140, %swap3A_141], %swap3A_144 {strides = array<i32>} : memref<128x128xf32, #tpu.memory_space<vmem>>, vector<1x16xf32>,
      %swap3A_145 = arith.index_cast %scan3A_85 : i32 to index
      %swap3A_146 = arith.constant 48 : index
      %swap3A_147 = tpu.vector_load %arg7[%swap3A_145, %swap3A_146] {strides = array<i32>} : memref<128x128xf32, #tpu.memory_space<vmem>>, vector<1x16xf32>,
      %swap3A_148 = vector.shape_cast %swap3A_147 : vector<1x16xf32> to vector<16xf32>
      %swap3A_149 = vector.shape_cast %scan3A_129#3 : vector<16xf32> to vector<1x16xf32>
      tpu.vector_store %arg7[%swap3A_145, %swap3A_146], %swap3A_149 {strides = array<i32>} : memref<128x128xf32, #tpu.memory_space<vmem>>, vector<1x16xf32>,
      %swap3A_150 = arith.index_cast %scan3A_85 : i32 to index
      %swap3A_151 = arith.constant 64 : index
      %swap3A_152 = tpu.vector_load %arg7[%swap3A_150, %swap3A_151] {strides = array<i32>} : memref<128x128xf32, #tpu.memory_space<vmem>>, vector<1x16xf32>,
      %swap3A_153 = vector.shape_cast %swap3A_152 : vector<1x16xf32> to vector<16xf32>
      %swap3A_154 = vector.shape_cast %scan3A_129#4 : vector<16xf32> to vector<1x16xf32>
      tpu.vector_store %arg7[%swap3A_150, %swap3A_151], %swap3A_154 {strides = array<i32>} : memref<128x128xf32, #tpu.memory_space<vmem>>, vector<1x16xf32>,
      %swap3A_155 = arith.index_cast %scan3A_85 : i32 to index
      %swap3A_156 = arith.constant 80 : index
      %swap3A_157 = tpu.vector_load %arg7[%swap3A_155, %swap3A_156] {strides = array<i32>} : memref<128x128xf32, #tpu.memory_space<vmem>>, vector<1x16xf32>,
      %swap3A_158 = vector.shape_cast %swap3A_157 : vector<1x16xf32> to vector<16xf32>
      %swap3A_159 = vector.shape_cast %scan3A_129#5 : vector<16xf32> to vector<1x16xf32>
      tpu.vector_store %arg7[%swap3A_155, %swap3A_156], %swap3A_159 {strides = array<i32>} : memref<128x128xf32, #tpu.memory_space<vmem>>, vector<1x16xf32>,
      %swap3A_160 = arith.index_cast %scan3A_85 : i32 to index
      %swap3A_161 = arith.constant 96 : index
      %swap3A_162 = tpu.vector_load %arg7[%swap3A_160, %swap3A_161] {strides = array<i32>} : memref<128x128xf32, #tpu.memory_space<vmem>>, vector<1x16xf32>,
      %swap3A_163 = vector.shape_cast %swap3A_162 : vector<1x16xf32> to vector<16xf32>
      %swap3A_164 = vector.shape_cast %scan3A_129#6 : vector<16xf32> to vector<1x16xf32>
      tpu.vector_store %arg7[%swap3A_160, %swap3A_161], %swap3A_164 {strides = array<i32>} : memref<128x128xf32, #tpu.memory_space<vmem>>, vector<1x16xf32>,
      %swap3A_165 = arith.index_cast %scan3A_85 : i32 to index
      %swap3A_166 = arith.constant 112 : index
      %swap3A_167 = tpu.vector_load %arg7[%swap3A_165, %swap3A_166] {strides = array<i32>} : memref<128x128xf32, #tpu.memory_space<vmem>>, vector<1x16xf32>,
      %swap3A_168 = vector.shape_cast %swap3A_167 : vector<1x16xf32> to vector<16xf32>
      %swap3A_169 = vector.shape_cast %scan3A_129#7 : vector<16xf32> to vector<1x16xf32>
      tpu.vector_store %arg7[%swap3A_165, %swap3A_166], %swap3A_169 {strides = array<i32>} : memref<128x128xf32, #tpu.memory_space<vmem>>, vector<1x16xf32>,
    }
    %scan3A_84 = arith.constant 2 : i32
    "tpu.region"() ({
      %run_scoped3A = tpu.sem_alloc : memref<!tpu.dma_semaphore, #tpu.memory_space<semaphore_mem>>
      %dma_start3A_85 = arith.constant 0 : i32
      %dma_start3A_86 = tpu.memref_slice %arg4[%mul3A_2, %dma_start3A_85] : memref<4096x128xf32, #tpu.memory_space<hbm>> -> memref<128x128xf32, #tpu.memory_space<hbm>>
      %dma_start3A_87 = arith.constant 0 : i32
      %dma_start3A_88 = tpu.memref_slice %arg4[%mul3A_2, %dma_start3A_87] : memref<4096x128xf32, #tpu.memory_space<hbm>> -> memref<128x128xf32, #tpu.memory_space<hbm>>
      tpu.enqueue_dma source(%arg7 : memref<128x128xf32, #tpu.memory_space<vmem>>) target(%dma_start3A_88 : memref<128x128xf32, #tpu.memory_space<hbm>>) target_semaphore(%run_scoped3A : memref<!tpu.dma_semaphore, #tpu.memory_space<semaphore_mem>>)
      %dma_wait3A = arith.constant 0 : i32
      %dma_wait3A_89 = tpu.memref_slice %arg4[%mul3A_2, %dma_wait3A] : memref<4096x128xf32, #tpu.memory_space<hbm>> -> memref<128x128xf32, #tpu.memory_space<hbm>>
      %dma_wait3A_90 = arith.constant 0 : i32
      %dma_wait3A_91 = tpu.memref_slice %arg4[%mul3A_2, %dma_wait3A_90] : memref<4096x128xf32, #tpu.memory_space<hbm>> -> memref<128x128xf32, #tpu.memory_space<hbm>>
      tpu.wait_dma2 semaphore(%run_scoped3A : memref<!tpu.dma_semaphore, #tpu.memory_space<semaphore_mem>>) src(%arg7 : memref<128x128xf32, #tpu.memory_space<vmem>>) dst(%dma_wait3A_91 : memref<128x128xf32, #tpu.memory_space<hbm>>)
      tpu.yield
    }) : () -> ()
    return
  }
}

module attributes {stable_mosaic.version = 14 : i64} {
  func.func @mm_body(%arg0: i32, %arg1: memref<512x128xf32, #tpu.memory_space<vmem>>, %arg2: memref<1000x128xf32, #tpu.memory_space<vmem>>, %arg3: memref<1x1000xf32, #tpu.memory_space<vmem>>, %arg4: memref<512x1000xf32, #tpu.memory_space<vmem>>) attributes {dimension_semantics = [#tpu.dimension_semantics<arbitrary>], iteration_bounds = array<i64: 8>, scalar_prefetch = 0 : i64, scratch_operands = 0 : i64, tpu.core_type = #tpu.core_type<tc>, window_params = [{transform_indices = @transform_0, window_bounds = array<i64: 512, 128>}, {pipeline_mode = #tpu.pipeline_mode<synchronous>, transform_indices = @transform_1, window_bounds = array<i64: 1000, 128>}, {pipeline_mode = #tpu.pipeline_mode<synchronous>, transform_indices = @transform_2, window_bounds = array<i64: 1, 1000>}, {transform_indices = @transform_3, window_bounds = array<i64: 512, 1000>}]} {
    %get3A = arith.constant 0 : index
    %get3A_0 = arith.constant 0 : index
    %get3A_1 = vector.load %arg1[%get3A, %get3A_0] : memref<512x128xf32, #tpu.memory_space<vmem>>, vector<512x128xf32>
    %mul3A = arith.constant 5.000000e-03 : f32
    %mul3A_2 = vector.broadcast %mul3A : f32 to vector<512x128xf32>
    %mul3A_3 = arith.mulf %get3A_1, %mul3A_2 : vector<512x128xf32>
    %get3A_4 = arith.constant 0 : index
    %get3A_5 = arith.constant 0 : index
    %get3A_6 = vector.load %arg2[%get3A_4, %get3A_5] : memref<1000x128xf32, #tpu.memory_space<vmem>>, vector<1000x128xf32>
    %dot_general3A = arith.constant dense<0.000000e+00> : vector<512x1000xf32>
    %dot_general3A_7 = tpu.matmul %mul3A_3, %get3A_6, %dot_general3A {dimension_numbers = #tpu.dot_dimension_numbers<[1], [1], [0], [0], [0, 0, 1, 0], [], []>, transpose_lhs_hint = false} : vector<512x128xf32>, vector<1000x128xf32>, vector<512x1000xf32> -> vector<512x1000xf32>
    %get3A_8 = arith.constant 0 : index
    %get3A_9 = arith.constant 0 : index
    %get3A_10 = vector.load %arg3[%get3A_8, %get3A_9] : memref<1x1000xf32, #tpu.memory_space<vmem>>, vector<1x1000xf32>
    %add3A = vector.broadcast %get3A_10 : vector<1x1000xf32> to vector<512x1000xf32>
    %add3A_11 = arith.addf %dot_general3A_7, %add3A : vector<512x1000xf32>
    %swap3A = arith.constant 0 : index
    %swap3A_12 = arith.constant 0 : index
    %swap3A_13 = vector.load %arg4[%swap3A, %swap3A_12] : memref<512x1000xf32, #tpu.memory_space<vmem>>, vector<512x1000xf32>
    tpu.vector_store %arg4[%swap3A, %swap3A_12], %add3A_11 {strides = array<i32>} : memref<512x1000xf32, #tpu.memory_space<vmem>>, vector<512x1000xf32>,
    return
  }
  func.func @transform_0(%arg0: i32) -> (i32, i32) {
    %c0_i32 = arith.constant 0 : i32
    %c0_i32_0 = arith.constant 0 : i32
    return %arg0, %c0_i32 : i32, i32
  }
  func.func @transform_1(%arg0: i32) -> (i32, i32) {
    %c0_i32 = arith.constant 0 : i32
    %c0_i32_0 = arith.constant 0 : i32
    %c0_i32_1 = arith.constant 0 : i32
    return %c0_i32, %c0_i32_0 : i32, i32
  }
  func.func @transform_2(%arg0: i32) -> (i32, i32) {
    %c0_i32 = arith.constant 0 : i32
    %c0_i32_0 = arith.constant 0 : i32
    %c0_i32_1 = arith.constant 0 : i32
    return %c0_i32, %c0_i32_0 : i32, i32
  }
  func.func @transform_3(%arg0: i32) -> (i32, i32) {
    %c0_i32 = arith.constant 0 : i32
    %c0_i32_0 = arith.constant 0 : i32
    return %arg0, %c0_i32 : i32, i32
  }
}

</mosaic_0001>

<sc_bundles>
// kernel: kernel.4.cloned.1.call-start
scs
__scs_entry_jumppad:
0x0: {  	(pc) =	sbr.rel $0x88, $3  }
0x1: {  	(tag) =	ssettag $0x0;
	lr =	simm.s32 $0x1  }
0x2: {  	[smem:$0x3F9D] =	sst lr;
	_ =	strace $0xD0000000  }
0x3: {  	_ = 	snop  }
0x4: {  	_ = 	snop  }
0x5: {  	_ = 	snop  }
0x6: {  	_ = 	snop  }
0x7: {  	_ = 	snop  }
__scs_overlays_trampoline_lowered:
0x8: {  	[smem:$0x3FAC] =	sst s0  }
0x9: {  	[smem:$0x3FAD] =	sst s1  }
0xa: {  	[smem:$0x3FAE] =	sst s2  }
0xb: {  	[smem:$0x3FAF] =	sst s3  }
0xc: {  	[smem:$0x3FB0] =	sst s4  }
0xd: {  	[smem:$0x3FB1] =	sst s5  }
0xe: {  	[smem:$0x3FB2] =	sst s6  }
0xf: {  	[smem:$0x3FB3] =	sst s7  }
0x10: {  	[smem:$0x3FB4] =	sst s8  }
0x11: {  	[smem:$0x3FB5] =	sst s9;
	s0 =	simm.s32 @!p0 $0x0  }
0x12: {  	s1 =	sld [smem:$0x3F9B];
	s0 =	simm.s32 @p0 $0x1  }
0x13: {  	[smem:$0x3FB6] =	sst s0;
	s0 =	simm.s32 @!p1 $0x0  }
0x14: {  	s2 =	sld [smem:$0x3F9A];
	s0 =	simm.s32 @p1 $0x1  }
0x15: {  	[smem:$0x3FB7] =	sst s0;
	s0 =	simm.s32 @!p2 $0x0  }
0x16: {  	s3 =	sld [smem:$0x3FDB];
	s0 =	simm.s32 @p2 $0x1  }
0x17: {  	s4 =	simm.s32 $0x1BF5;
	[smem:$0x3FB9] =	sst s0  }
0x18: {  	s0 =	sld [smem:$0x3F9C];
	_ =	swait.ge [sflag:s4], $0x0  }
0x19: {  	s7 =	sld [smem:$0x3F9D]  }
0x1a: {  	s8 =	sadd.s32 $0xFFFFE003, lr  }
0x1b: {  	s9 =	sadd.s32 $0xFFFFFEF7, lr;
	s5 =	simm.s32 $0xFFFFFFFF;
	p2 =	slt.u32 s8, $0xFFFFF086  }
0x1c: {  	p1 =	slt.u32 s9, $0xF7A;
	s5 =	simm.s32 @!p2 $0x0  }
0x1d: {  	s5 =	simm.s32 @p1 $0x1;
	p0 =	seq.s32 s7, s2  }
0x1e: {  	s7 =	smul.u32 @!p0 $0xF7A, s2;
	p2 =	seq.s32 @!p0 s5, $0x0  }
0x1f: {  	s9 =	smul.u32 $0xF7A, s1;
	s8 =	simm.s32 @!p0 $0x1BF5;
	p2 =	por !p2, p0  }
0x20: {  	[sflag:s8] =	ssyncset.s32 @!p0 $0xFFFFF086;
	s6 =	sadd.s32 @!p0 s3, s7;
	s7 =	simm.s32 @!p0 $0x108  }
0x21: {  	s3 =	sadd.s32 s3, s9;
	s6 =	sadd.s32 @!p0 $0x88, s6;
	s7 =	simm.s32 @p2 $0x1082  }
0x22: {  	[simem:s7], [sflag:s8] =	dma.local @!p0 [hbm:s6], $0xF7A  }
0x23: {  	s9 =	sor.u32 $0xD0000000, s2;
	s6 =	simm.s32 $0x108;
	_ =	swait.ge @!p0 [sflag:s8], $0x0  }
0x24: {  	s3 =	sadd.s32 $0x88, s3;
	s6 =	simm.s32 @!p1 $0x1082;
	[sflag:s4] =	ssyncset.s32 $0xFFFFF086  }
0x25: {  	[simem:s6], [sflag:s4] =	dma.local [hbm:s3], $0xF7A  }
0x26: {  	[smem:$0x3F9D] =	sst s1;
	(tag) =	ssettag s2;
	_ =	strace s9  }
0x27: {  	s1 =	sld [smem:$0x3FAD]  }
0x28: {  	s2 =	sld [smem:$0x3FAE]  }
0x29: {  	s4 =	sld [smem:$0x3FB0]  }
0x2a: {  	p0 =	seq.s32 s5, $0x0;
	s5 =	sld [smem:$0x3FB1]  }
0x2b: {  	s6 =	sld [smem:$0x3FB2]  }
0x2c: {  	s7 =	sld [smem:$0x3FB3]  }
0x2d: {  	s3 =	simm.s32 $0x108;
	s8 =	sld [smem:$0x3FB4]  }
0x2e: {  	s3 =	simm.s32 @!p0 $0x1082;
	s9 =	sld [smem:$0x3FB5]  }
0x2f: {  	lr =	sadd.s32 s0, s3;
	s0 =	sld [smem:$0x3FAC]  }
0x30: {  	s3 =	sld [smem:$0x3FAF]  }
0x31: {  	[smem:$0x3FB8] =	sst s10  }
0x32: {  	s10 =	sld [smem:$0x3FB6];
	_ =	sdelay $0x3  }
0x33: {  	p0 =	seq.s32 s10, $0x1;
	s10 =	sld [smem:$0x3FB8];
	_ =	sdelay $0x3  }
0x34: {  	[smem:$0x3FB8] =	sst s10  }
0x35: {  	s10 =	sld [smem:$0x3FB7];
	_ =	sdelay $0x3  }
0x36: {  	p1 =	seq.s32 s10, $0x1;
	s10 =	sld [smem:$0x3FB8];
	_ =	sdelay $0x3  }
0x37: {  	[smem:$0x3FB8] =	sst s10  }
0x38: {  	s10 =	sld [smem:$0x3FB9]  }
0x39: {  	_ = 	snop;
	(pc) =	sbr.ind lr, $3  }
0x3a: {  	_ = 	snop  }
0x3b: {  	_ = 	snop  }
0x3c: {  	p2 =	seq.s32 s10, $0x1;
	s10 =	sld [smem:$0x3FB8]  }
0x3d: {  	_ =	shalt  }
0x3e: {  	_ =	shalt  }
0x3f: {  	_ =	shalt  }
0x40: {  	_ =	shalt  }
0x41: {  	_ =	shalt  }
0x42: {  	_ =	shalt  }
0x43: {  	_ =	shalt  }
0x44: {  	_ =	shalt  }
0x45: {  	_ =	shalt  }
0x46: {  	_ =	shalt  }
0x47: {  	_ =	shalt  }
0x48: {  	_ =	shalt  }
0x49: {  	_ =	shalt  }
0x4a: {  	_ =	shalt  }
0x4b: {  	_ =	shalt  }
0x4c: {  	_ =	shalt  }
0x4d: {  	_ =	shalt  }
0x4e: {  	_ =	shalt  }
0x4f: {  	_ =	shalt  }
0x50: {  	_ =	shalt  }
0x51: {  	_ =	shalt  }
0x52: {  	_ =	shalt  }
0x53: {  	_ =	shalt  }
0x54: {  	_ =	shalt  }
0x55: {  	_ =	shalt  }
0x56: {  	_ =	shalt  }
0x57: {  	_ =	shalt  }
0x58: {  	_ =	shalt  }
0x59: {  	_ =	shalt  }
0x5a: {  	_ =	shalt  }
0x5b: {  	_ =	shalt  }
0x5c: {  	_ =	shalt  }
0x5d: {  	_ =	shalt  }
0x5e: {  	_ =	shalt  }
0x5f: {  	_ =	shalt  }
0x60: {  	_ =	shalt  }
0x61: {  	_ =	shalt  }
0x62: {  	_ =	shalt  }
0x63: {  	_ =	shalt  }
0x64: {  	_ =	shalt  }
0x65: {  	_ =	shalt  }
0x66: {  	_ =	shalt  }
0x67: {  	_ =	shalt  }
0x68: {  	_ =	shalt  }
0x69: {  	_ =	shalt  }
0x6a: {  	_ =	shalt  }
0x6b: {  	_ =	shalt  }
0x6c: {  	_ =	shalt  }
0x6d: {  	_ =	shalt  }
0x6e: {  	_ =	shalt  }
0x6f: {  	_ =	shalt  }
0x70: {  	_ =	shalt  }
0x71: {  	_ =	shalt  }
0x72: {  	_ =	shalt  }
0x73: {  	_ =	shalt  }
0x74: {  	_ =	shalt  }
0x75: {  	_ =	shalt  }
0x76: {  	_ =	shalt  }
0x77: {  	_ =	shalt  }
0x78: {  	_ =	shalt  }
0x79: {  	_ =	shalt  }
0x7a: {  	_ =	shalt  }
0x7b: {  	_ =	shalt  }
0x7c: {  	_ =	shalt  }
0x7d: {  	_ =	shalt  }
0x7e: {  	_ =	shalt  }
0x7f: {  	_ =	shalt  }
0x80: {  	_ =	shalt  }
0x81: {  	_ =	shalt  }
0x82: {  	_ =	shalt  }
0x83: {  	_ =	shalt  }
0x84: {  	_ =	shalt  }
0x85: {  	_ =	shalt  }
0x86: {  	_ =	shalt  }
0x87: {  	_ =	shalt  }
.Lfunc_end0:
.L_simem_size_0:
called_computation.1_lowered:
.L_overlay_start_0:
0x88: {  	s2 =	sld [smem:$0x3FD9]  }
0x89: {  	s3 =	sld [smem:$0x3FFE];
	_ =	sdelay $0x1  }
0x8a: {  	s1 =	srdreg.scid  }
0x8b: {  	s0 =	sand.u32 $0x1, s1  }
0x8c: {  	s17 =	sshll.u32 s0, $0xA;
	s2 =	sadd.s32 s3, s2  }
0x8d: {  	s2 =	sadd.s32 s2, s17  }
0x8e: {  	[smem:$0x3FC4] =	sst s2  }
0x8f: {  	_ = 	snop  }
0x90: {  	s2 =	sld [smem:$0x3FD0];
	(tm) =	ssettm $0x1  }
0x91: {  	s18 =	sld [smem:$0x3FFB];
	_ =	sdelay $0x3  }
0x92: {  	_ =	strace s18  }
0x93: {  	s3 =	sld [smem:$0x3FFC];
	_ =	sdelay $0x3  }
0x94: {  	_ =	strace s3  }
0x95: {  	s3 =	sld [smem:$0x3FFD];
	_ =	sdelay $0x3  }
0x96: {  	_ =	strace s3  }
0x97: {  	_ =	strace $0x8FFFFFFF  }
0x98: {  	s19 =	sld [smem:$0x3FDB];
	_ =	sdelay $0x1  }
0x99: {  	s4 =	simm.s32 $_scs_section_size  }
0x9a: {  	s5 =	simm.s32 $_size__tile_overlayer_lowered;
	s6 =	simm.s32 $_tile_overlayer_lowered  }
0x9b: {  	s22 =	simm.s32 $0x1BFF;
	s21 =	sshll.u32 s6, $0x1;
	s3 =	sadd.s32 s4, s19  }
0x9c: {  	s7 =	simm.s32 $0x0;
	s20 =	sshll.u32 s5, $0x1;
	s5 =	sadd.s32 s21, s3  }
0x9d: {  	[timem:s7], [sflag:s22] =	dma.local [hbm:s5], s20  }
0x9e: {  	_ =	swait.ge [sflag:s22], s20  }
0x9f: {  	s4 =	ssub.s32 $0x0, s20;
	[sflag:s22] =	ssyncset.done $0x0  }
0xa0: {  	[sflag:s22] =	ssyncadd.s32 s4;
	_ =	sdelay $0x1  }
0xa1: {  	s23 =	simm.s32 $0x1B8B  }
0xa2: {  	_ =	swait.ge [sflag:s23], $0x1  }
0xa3: {  	[sflag:s23] =	ssyncset.done $0x0  }
0xa4: {  	s25 =	simm.s32 $0x1B8E;
	s24 =	sld [smem:$0x3FFE];
	[sflag:s23] =	ssyncadd.s32 $0xFFFFFFFF  }
0xa5: {  	s26 =	simm.s32 $execute0_lowered;
	[smem:$0x3FD2] =	sst s25  }
0xa6: {  	s5 =	sshll.u32 s26, $0x1;
	_ =	strace $0x80000049;
	[dreg:$0x1] =	wrdreg $0xFFFFFFFF  }
0xa7: {  	s28 =	simm.s32 $_size_execute0_lowered;
	s3 =	sadd.s32 s3, s5;
	[dreg:$0x0] =	wrdreg $0x0  }
0xa8: {  	s5 =	sshll.u32 s28, $0x1;
	[dreg:$0x2] =	wrdreg s3  }
0xa9: {  	[dreg:$0x3] =	wrdreg s5  }
0xaa: {  	[dreg:$0x4] =	wrdreg $0xC0  }
0xab: {  	_ =	task [dreg:s7], $0x5FFFF  }
0xac: {  	[dreg:$0x1] =	wrdreg $0xFFFFFFFF  }
0xad: {  	[dreg:$0x0] =	wrdreg $0x60  }
0xae: {  	[dreg:$0x2] =	wrdreg s2  }
0xaf: {  	[dreg:$0x3] =	wrdreg s24  }
0xb0: {  	[dreg:$0x4] =	wrdreg $0x9  }
0xb1: {  	_ =	task.clear_ibuf [dreg:s7], $0x5FFFF;
	_ =	strace $0x90000049  }
0xb2: {  	s29 =	simm.s32 $0x9;
	_ =	strace $0x8000004B  }
0xb3: {  	_ =	swait.ge [sflag:s29], $0x1  }
0xb4: {  	[sflag:s29] =	ssyncadd.s32 $0xFFFFFFFF  }
0xb5: {  	_ =	strace $0x9000004B  }
0xb6: {  	_ =	sfence  }
0xb7: {  	s30 =	sld [smem:$0x0];
	_ =	sdelay $0x2  }
0xb8: {  	s31 =	sshll.u32 s1, $0xD;
	s1 =	sshrl.u32 s1, $0x2  }
0xb9: {  	s3 =	sand.u32 $0x4000, s31;
	s1 =	sadd.s32 s1, s30  }
0xba: {  	s0 =	sor.u32 s3, s0;
	s1 =	sshll.u32 s1, $0x11  }
0xbb: {  	s0 =	sor.u32 s1, s0  }
0xbc: {  	s0 =	sadd.s32 $0x8F2B, s0  }
0xbd: {  	[sflag:s0] =	ssyncadd.remote.s32 $0x1  }
0xbe: {  	_ =	sfence.sel $0xFFFF  }
0xbf: {  	[dreg:$0x0] =	wrdreg $0xFFFFFFFF;
	(pc) =	sbr.abs _section_cstart, $3  }
0xc0: {  	[dreg:$0x1] =	wrdreg $0xFFFFFFFF  }
0xc1: {  	_ =	task.clear_ibuf [dreg:s7], $0x2FFFF;
	_ =	strace $0x9FFFFFFF  }
0xc2: {  	(tm) =	ssettm $0x7FFFFFFF  }
0xc3: {  	_ =	shalt  }
tec
execute0_lowered:
.L_overlay_start_1:
0x0: {  	(tag) =	ssettag $0x1  }
0x1: {  	s4 =	rddreg [dreg:$0x0]  }
0x2: {  	s5 =	rddreg [dreg:$0x1]  }
0x3: {  	s0 =	rddreg [dreg:$0x2]  }
0x4: {  	s2 =	simm.s32 $0x0;
	s3 =	srdreg.scid;
	s1 =	stileid.u32  }
0x5: {  	s10 =	simm.s32 $0x8200;
	s11 =	simm.s32 $0xD0;
	s12 =	simm.s32 $0x9C00  }
0x6: {  	s13 =	simm.s32 $0x138;
	s14 =	simm.s32 $0xB600;
	s15 =	simm.s32 $0x1  }
0x7: {  	s16 =	simm.s32 $0x2;
	s17 =	simm.s32 $0xD000;
	s18 =	simm.s32 $0x0  }
0x8: {  	[smem:$0x7FF] =	sst s2;
	s3 =	sand.u32 $0x1, s3;
	s6 =	sshll.u32 s1, $0x1  }
0x9: {  	_ =	strace $0x8000004A;
	s6 =	sor.u32 s3, s6;
	s7 =	ssub.s32 $0x2, s3  }
0xa: {  	s8 =	sshll.u32 s6, $0xB;
	s9 =	sshrl.u32 s7, $0x1;
	s6 =	smul.u32 $0xD00, s6  }
0xb: {  	s3 =	sadd.s32 $0xE00, s5;
	s5 =	sadd.s32 s8, s5;
	s7 =	ssub.s32 s7, s9  }
0xc: {  	s8 =	simm.s32 $0x68;
	s9 =	simm.s32 $0x6800;
	s4 =	sadd.s32 s4, s6  }
0xd: {  	s5 =	sadd.s32 $0xC4400, s5;
	s6 =	smax.u32 s7, $0x1;
	s7 =	simm.s32 $0x3  }
.LBB2_1:
0xe: {  	[tilespmem:s2], [sflag:$0x3] =	stream.linear.gather [hbm4b:s4+s2], $0x6800, $0x38;
	[tilespmem:$0x11000] =	vst v63  }
0xf: {  	_ =	swait.ge [sflag:s7], $0x6800  }
0x10: {  	[sflag:s7] =	ssyncset.done $0x0  }
0x11: {  	[sflag:s7] =	ssyncadd.s32 $0xFFFF9800  }
0x12: {  	[tilespmem:s9], [sflag:$0x1] =	stream.indirect.gather [hbm4b:s3+s8], $0x40, s2, s8, $0xb8;
	[tilespmem:$0x11000] =	vst v63  }
0x13: {  	_ = 	snop  }
0x14: {  	[tilespmem:s10], [sflag:$0x2] =	stream.indirect.gather [hbm4b:s3+s8], $0x40, s8, s8, $0xb8;
	[tilespmem:$0x11000] =	vst v63  }
0x15: {  	_ = 	snop  }
0x16: {  	[tilespmem:s12], [sflag:$0x1] =	stream.indirect.gather [hbm4b:s3+s8], $0x40, s11, s8, $0xb8;
	[tilespmem:$0x11000] =	vst v63  }
0x17: {  	p0 =	por $0x0, $0x0;
	s19 =	simm.s32 $0x0  }
0x18: {  	[tilespmem:s14], [sflag:$0x2] =	stream.indirect.gather [hbm4b:s3+s8], $0x40, s13, s8, $0xb8;
	[tilespmem:$0x11000] =	vst v63  }
.LBB2_2:
0x19: {  	s20 =	simm.s32 $0x1  }
0x1a: {  	s20 =	simm.s32 @!p0 $0x0  }
0x1b: {  	s20 =	smul.u32 $0xD000, s20;
	_ =	sdelay $0x1  }
0x1c: {  	s21 =	sshrl.u32 s20, $0x2  }
0x1d: {  	s20 =	sadd.s32 $0x6820, s21  }
0x1e: {  	v0 =	vmov s20;
	_ =	sdelay $0x1  }
0x1f: {  	_ =	swait.ge [sflag:s15], $0x1A00  }
0x20: {  	[sflag:s15] =	ssyncset.done $0x0  }
0x21: {  	s31 =	simm.s32 $0x0;
	[sflag:s15] =	ssyncadd.s32 $0xFFFFE600  }
0x22: {  	v1 =	vld.idx.msk [tilespmem:v0+s31+$0x10 ss:$0x1], $0xffff  }
0x23: {  	v2 =	vld.idx.msk [tilespmem:v0+s31+$0xFFFFFFE0 ss:$0x1], $0xffff  }
0x24: {  	v5 =	vld.idx.msk [tilespmem:v0+s31+$0xFFFFFFF0 ss:$0x1], $0xffff;
	_ =	sdelay $0x1  }
0x25: {  	v10 =	vld.idx.msk [tilespmem:v0+s31+$0x0 ss:$0x1], $0xffff  }
0x26: {  	v6 =	vimm.f32 $0.0e+00  }
0x27: {  	s24 =	simm.s32 $0x40;
	v13 =	vimm.f32 $0.0e+00;
	v3 =	vshll.u32 v1, $0x10;
	v1 =	vand.u32 $0xFFFF0000, v1  }
0x28: {  	v7 =	vld.idx.msk [tilespmem:v0+s24+$0x10 ss:$0x1], $0xffff;
	v8 =	vshll.u32 v2, $0x10;
	v2 =	vand.u32 $0xFFFF0000, v2;
	v11 =	vshll.u32 v5, $0x10  }
0x29: {  	v12 =	vand.u32 $0xFFFF0000, v5;
	v4 =	vadd.f32 v1, v6;
	v1 =	vadd.f32 v8, v6;
	v8 =	vld.idx.msk [tilespmem:v0+s24+$0xFFFFFFE0 ss:$0x1], $0xffff  }
0x2a: {  	s20 =	sshll.u32 s19, $0x1;
	v9 =	vld.idx.msk [tilespmem:v0+s24+$0xFFFFFFF0 ss:$0x1], $0xffff;
	v14 =	vshll.u32 v10, $0x10;
	v15 =	vand.u32 $0xFFFF0000, v10;
	v2 =	vadd.f32 v2, v6  }
0x2b: {  	s23 =	simm.s32 $0x200;
	s21 =	sor.u32 $0x8230, s21;
	s22 =	sand.u32 $0x2, s20;
	v5 =	vadd.f32 v11, v6;
	v11 =	vld.idx.msk [tilespmem:v0+s24+$0x0 ss:$0x1], $0xffff;
	v10 =	vadd.f32 v12, v6;
	v12 =	vimm.f32 $0.0e+00  }
.LBB2_3:
0x2c: {  	s24 =	sshra.s32 s23, $0x2;
	p1 =	sne.s32 s23, $0x6700;
	s23 =	sadd.s32 $0x100, s23;
	v6 =	vadd.f32 v14, v6;
	v13 =	vadd.f32 v15, v13  }
.Ltmp0:
0x2d: {  	v14 =	vand.u32 $0xFFFF0000, v7;
	v12 =	vadd.f32 v3, v12;
	v3 =	vshll.u32 v7, $0x10;
	v7 =	vld.idx.msk [tilespmem:v0+s24+$0x10 ss:$0x1], $0xffff;
	(pc) =	sbr.rel @p1 .LBB2_3-.Ltmp0, $4  }
0x2e: {  	v15 =	vshll.u32 v8, $0x10;
	v16 =	vand.u32 $0xFFFF0000, v8;
	v4 =	vadd.f32 v14, v4;
	v8 =	vld.idx.msk [tilespmem:v0+s24+$0xFFFFFFE0 ss:$0x1], $0xffff  }
0x2f: {  	v1 =	vadd.f32 v15, v1;
	v17 =	vshll.u32 v9, $0x10;
	v18 =	vand.u32 $0xFFFF0000, v9;
	v9 =	vld.idx.msk [tilespmem:v0+s24+$0xFFFFFFF0 ss:$0x1], $0xffff  }
0x30: {  	v2 =	vadd.f32 v16, v2;
	v14 =	vshll.u32 v11, $0x10;
	v15 =	vand.u32 $0xFFFF0000, v11;
	v11 =	vld.idx.msk [tilespmem:v0+s24+$0x0 ss:$0x1], $0xffff  }
0x31: {  	v5 =	vadd.f32 v17, v5;
	v10 =	vadd.f32 v18, v10  }
0x32: {  	s22 =	smul.u32 $0x6800, s22  }
0x33: {  	s23 =	smul.u32 $0x340, s19;
	_ =	sdelay $0x1  }
0x34: {  	s22 =	sshrl.u32 s22, $0x2;
	s23 =	sshra.s32 s23, $0x2  }
0x35: {  	v0 =	vmov s21;
	s22 =	sadd.s32 $0x6800, s22;
	s23 =	sadd.s32 $0x1A0, s23  }
0x36: {  	[tilespmem:s22], [sflag:$0x1] =	stream.indirect.gather [hbm4b:s3+s8], $0x40, s23, s8, $0xb8;
	[tilespmem:$0x11000] =	vst v63  }
0x37: {  	_ =	swait.ge [sflag:s16], $0x1A00  }
0x38: {  	[sflag:s16] =	ssyncset.done $0x0  }
0x39: {  	v6 =	vadd.f32 v14, v6;
	v13 =	vadd.f32 v15, v13;
	s30 =	simm.s32 $0x0;
	[sflag:s16] =	ssyncadd.s32 $0xFFFFE600  }
0x3a: {  	v14 =	vshll.u32 v7, $0x10;
	v7 =	vand.u32 $0xFFFF0000, v7;
	v3 =	vadd.f32 v3, v12;
	v12 =	vld.idx.msk [tilespmem:v0+s30+$0x0 ss:$0x1], $0xffff  }
0x3b: {  	v15 =	vshll.u32 v8, $0x10;
	v8 =	vand.u32 $0xFFFF0000, v8;
	v7 =	vadd.f32 v7, v4;
	v16 =	vld.idx.msk [tilespmem:v0+s30+$0xFFFFFFD0 ss:$0x1], $0xffff  }
0x3c: {  	v15 =	vadd.f32 v15, v1;
	v1 =	vshll.u32 v9, $0x10;
	v4 =	vand.u32 $0xFFFF0000, v9;
	v17 =	vld.idx.msk [tilespmem:v0+s30+$0xFFFFFFE0 ss:$0x1], $0xffff  }
0x3d: {  	v18 =	vadd.f32 v8, v2;
	v3 =	vadd.f32 v14, v3;
	v2 =	vshll.u32 v11, $0x10;
	v20 =	vld.idx.msk [tilespmem:v0+s30+$0xFFFFFFF0 ss:$0x1], $0xffff  }
0x3e: {  	v19 =	vadd.f32 v1, v5;
	v1 =	vand.u32 $0xFFFF0000, v11;
	v10 =	vadd.f32 v4, v10  }
0x3f: {  	s31 =	simm.s32 $0x40;
	v6 =	vadd.f32 v2, v6;
	v4 =	vadd.f32 v1, v13;
	v5 =	vshll.u32 v12, $0x10  }
0x40: {  	v1 =	vld.idx.msk [tilespmem:v0+s31+$0x0 ss:$0x1], $0xffff;
	v2 =	vand.u32 $0xFFFF0000, v12;
	v8 =	vshll.u32 v16, $0x10;
	v12 =	vand.u32 $0xFFFF0000, v16  }
0x41: {  	v9 =	vld.idx.msk [tilespmem:v0+s31+$0xFFFFFFD0 ss:$0x1], $0xffff;
	v13 =	vshll.u32 v17, $0x10;
	v16 =	vand.u32 $0xFFFF0000, v17;
	v2 =	vadd.f32 v2, v7  }
0x42: {  	v14 =	vand.u32 $0xFFFF0000, v20;
	v11 =	vadd.f32 v8, v15;
	v8 =	vld.idx.msk [tilespmem:v0+s31+$0xFFFFFFE0 ss:$0x1], $0xffff;
	v12 =	vadd.f32 v12, v18  }
0x43: {  	s21 =	simm.s32 $0x200;
	v15 =	vshll.u32 v20, $0x10;
	v7 =	vld.idx.msk [tilespmem:v0+s31+$0xFFFFFFF0 ss:$0x1], $0xffff;
	v13 =	vadd.f32 v13, v19;
	v10 =	vadd.f32 v16, v10  }
.LBB2_5:
0x44: {  	s22 =	sshra.s32 s21, $0x2;
	p1 =	sne.s32 s21, $0x6700;
	s21 =	sadd.s32 $0x100, s21;
	v6 =	vadd.f32 v15, v6;
	v4 =	vadd.f32 v14, v4  }
.Ltmp1:
0x45: {  	v14 =	vand.u32 $0xFFFF0000, v1;
	v3 =	vadd.f32 v5, v3;
	v5 =	vshll.u32 v1, $0x10;
	v1 =	vld.idx.msk [tilespmem:v0+s22+$0x0 ss:$0x1], $0xffff;
	(pc) =	sbr.rel @p1 .LBB2_5-.Ltmp1, $4  }
0x46: {  	v15 =	vshll.u32 v9, $0x10;
	v16 =	vand.u32 $0xFFFF0000, v9;
	v2 =	vadd.f32 v14, v2;
	v9 =	vld.idx.msk [tilespmem:v0+s22+$0xFFFFFFD0 ss:$0x1], $0xffff  }
0x47: {  	v11 =	vadd.f32 v15, v11;
	v17 =	vshll.u32 v8, $0x10;
	v18 =	vand.u32 $0xFFFF0000, v8;
	v8 =	vld.idx.msk [tilespmem:v0+s22+$0xFFFFFFE0 ss:$0x1], $0xffff  }
0x48: {  	v12 =	vadd.f32 v16, v12;
	v15 =	vshll.u32 v7, $0x10;
	v14 =	vand.u32 $0xFFFF0000, v7;
	v7 =	vld.idx.msk [tilespmem:v0+s22+$0xFFFFFFF0 ss:$0x1], $0xffff  }
0x49: {  	v13 =	vadd.f32 v17, v13;
	v10 =	vadd.f32 v18, v10  }
0x4a: {  	s20 =	sadd.s32 $0x5, s20  }
0x4b: {  	s21 =	sand.u32 $0x3, s20  }
0x4c: {  	s21 =	smul.u32 $0x6800, s21  }
0x4d: {  	s20 =	smul.u32 $0x1A0, s20  }
0x4e: {  	s21 =	sshrl.u32 s21, $0x2  }
0x4f: {  	s31 =	sshll.u32 s19, $0x7;
	v0 =	vshll.u32 v9, $0x10;
	s20 =	sshra.s32 s20, $0x2;
	s21 =	sadd.s32 $0x6800, s21  }
0x50: {  	v56 =	vand.u32 $0xFFFF0000, v9;
	v0 =	vadd.f32 v0, v11;
	[tilespmem:s21], [sflag:$0x2] =	stream.indirect.gather [hbm4b:s3+s8], $0x40, s20, s8, $0xb8;
	[tilespmem:$0x11000] =	vst v63  }
0x51: {  	v9 =	vadd.f32 v56, v12;
	v57 =	vshll.u32 v8, $0x10;
	s20 =	sand.u32 $0x3FFFFF80, s31  }
0x52: {  	v6 =	vadd.f32 v15, v6;
	v58 =	vand.u32 $0xFFFF0000, v8;
	v11 =	vadd.f32 v57, v13;
	[tilespmem:s20+$0xD000] =	vst v0  }
0x53: {  	v3 =	vadd.f32 v5, v3;
	s19 =	sadd.s32 $0x1, s19;
	v60 =	vshll.u32 v7, $0x10;
	v8 =	vadd.f32 v58, v10;
	[tilespmem:s20+$0xD010] =	vst v9  }
0x54: {  	v59 =	vadd.f32 v14, v4;
	v62 =	vshll.u32 v1, $0x10;
	p1 =	sne.s32 s19, $0x7E;
	v4 =	vadd.f32 v60, v6;
	[tilespmem:s20+$0xD020] =	vst v11  }
.Ltmp2:
0x55: {  	v63 =	vand.u32 $0xFFFF0000, v1;
	v3 =	vadd.f32 v62, v3;
	[tilespmem:s20+$0xD030] =	vst v8;
	(pc) =	sbr.rel @p1 .LBB2_2-.Ltmp2, $4  }
0x56: {  	v1 =	vadd.f32 v63, v2;
	v61 =	vand.u32 $0xFFFF0000, v7;
	[tilespmem:s20+$0xD040] =	vst v4  }
0x57: {  	v0 =	vadd.f32 v61, v59;
	[tilespmem:s20+$0xD060] =	vst v3  }
0x58: {  	[tilespmem:s20+$0xD070] =	vst v1  }
0x59: {  	p0 =	por !p0, !p0;
	[tilespmem:s20+$0xD050] =	vst v0  }
0x5a: {  	_ =	swait.ge [sflag:s15], $0x1A00  }
0x5b: {  	[sflag:s15] =	ssyncset.done $0x0  }
0x5c: {  	s19 =	simm.s32 $0x0;
	[sflag:s15] =	ssyncadd.s32 $0xFFFFE600  }
0x5d: {  	v6 =	vld [tilespmem:s19+$0x6830]  }
0x5e: {  	v1 =	vld [tilespmem:s19+$0x6800]  }
0x5f: {  	v2 =	vld [tilespmem:s19+$0x6810]  }
0x60: {  	v3 =	vld [tilespmem:s19+$0x6820];
	_ =	sdelay $0x2  }
0x61: {  	v0 =	vimm.f32 $0.0e+00;
	s20 =	simm.s32 $0x40  }
0x62: {  	v10 =	vld [tilespmem:s20+$0x6830];
	v4 =	vand.u32 $0xFFFF0000, v6;
	v5 =	vshll.u32 v1, $0x10;
	v7 =	vand.u32 $0xFFFF0000, v1  }
0x63: {  	v11 =	vld [tilespmem:s20+$0x6800];
	v9 =	vand.u32 $0xFFFF0000, v2;
	v13 =	vand.u32 $0xFFFF0000, v3;
	v4 =	vadd.f32 v4, v0  }
0x64: {  	v8 =	vld [tilespmem:s20+$0x6810];
	v1 =	vadd.f32 v5, v0;
	v5 =	vshll.u32 v2, $0x10;
	v2 =	vadd.f32 v7, v0  }
0x65: {  	v7 =	vshll.u32 v3, $0x10;
	v3 =	vadd.f32 v9, v0;
	v9 =	vld [tilespmem:s20+$0x6820];
	v5 =	vadd.f32 v5, v0  }
0x66: {  	s19 =	simm.s32 $0x200;
	v12 =	vshll.u32 v6, $0x10;
	v6 =	vadd.f32 v7, v0;
	v7 =	vadd.f32 v13, v0  }
.LBB2_8:
0x67: {  	s20 =	sshra.s32 s19, $0x2;
	p0 =	sne.s32 s19, $0x6700;
	s19 =	sadd.s32 $0x100, s19;
	v13 =	vand.u32 $0xFFFF0000, v10;
	v0 =	vadd.f32 v12, v0;
	v12 =	vshll.u32 v10, $0x10  }
.Ltmp3:
0x68: {  	v10 =	vld [tilespmem:s20+$0x6830];
	v14 =	vshll.u32 v11, $0x10;
	v15 =	vand.u32 $0xFFFF0000, v11;
	v4 =	vadd.f32 v13, v4;
	(pc) =	sbr.rel @p0 .LBB2_8-.Ltmp3, $4  }
0x69: {  	v11 =	vld [tilespmem:s20+$0x6800];
	v1 =	vadd.f32 v14, v1;
	v13 =	vshll.u32 v8, $0x10;
	v14 =	vand.u32 $0xFFFF0000, v8  }
0x6a: {  	v2 =	vadd.f32 v15, v2;
	v8 =	vld [tilespmem:s20+$0x6810];
	v15 =	vshll.u32 v9, $0x10;
	v16 =	vand.u32 $0xFFFF0000, v9  }
0x6b: {  	v5 =	vadd.f32 v13, v5;
	v3 =	vadd.f32 v14, v3;
	v9 =	vld [tilespmem:s20+$0x6820]  }
0x6c: {  	v6 =	vadd.f32 v15, v6;
	v7 =	vadd.f32 v16, v7  }
0x6d: {  	_ =	swait.ge [sflag:s16], $0x1A00  }
0x6e: {  	[sflag:s16] =	ssyncset.done $0x0  }
0x6f: {  	s19 =	simm.s32 $0x0;
	[sflag:s16] =	ssyncadd.s32 $0xFFFFE600  }
0x70: {  	v13 =	vshll.u32 v10, $0x10;
	v10 =	vand.u32 $0xFFFF0000, v10;
	v14 =	vld [tilespmem:s19+$0x8230]  }
0x71: {  	v4 =	vadd.f32 v10, v4;
	v10 =	vld [tilespmem:s19+$0x8200]  }
0x72: {  	v0 =	vadd.f32 v12, v0;
	v12 =	vshll.u32 v11, $0x10;
	v11 =	vand.u32 $0xFFFF0000, v11;
	v15 =	vld [tilespmem:s19+$0x8210]  }
0x73: {  	v12 =	vadd.f32 v12, v1;
	v1 =	vshll.u32 v8, $0x10;
	v8 =	vand.u32 $0xFFFF0000, v8;
	v17 =	vld [tilespmem:s19+$0x8220]  }
0x74: {  	v11 =	vadd.f32 v11, v2;
	v2 =	vshll.u32 v9, $0x10;
	v16 =	vadd.f32 v1, v5  }
0x75: {  	v1 =	vand.u32 $0xFFFF0000, v9;
	v8 =	vadd.f32 v8, v3;
	v18 =	vadd.f32 v2, v6  }
0x76: {  	s20 =	simm.s32 $0x40;
	v19 =	vadd.f32 v1, v7;
	v2 =	vadd.f32 v13, v0  }
0x77: {  	v1 =	vld [tilespmem:s20+$0x8230];
	v0 =	vand.u32 $0xFFFF0000, v14;
	v3 =	vshll.u32 v10, $0x10;
	v5 =	vand.u32 $0xFFFF0000, v10  }
0x78: {  	v6 =	vand.u32 $0xFFFF0000, v15;
	v7 =	vshll.u32 v17, $0x10;
	v3 =	vadd.f32 v3, v12;
	v12 =	vld [tilespmem:s20+$0x8200]  }
0x79: {  	v13 =	vand.u32 $0xFFFF0000, v17;
	v0 =	vadd.f32 v0, v4;
	v5 =	vadd.f32 v5, v11;
	v11 =	vld [tilespmem:s20+$0x8210]  }
0x7a: {  	v9 =	vld [tilespmem:s20+$0x8220];
	v4 =	vshll.u32 v15, $0x10;
	v6 =	vadd.f32 v6, v8;
	v7 =	vadd.f32 v7, v18  }
0x7b: {  	s19 =	simm.s32 $0x200;
	v8 =	vshll.u32 v14, $0x10;
	v10 =	vadd.f32 v4, v16;
	v4 =	vadd.f32 v13, v19  }
.LBB2_10:
0x7c: {  	s20 =	sshra.s32 s19, $0x2;
	p0 =	sne.s32 s19, $0x6700;
	s19 =	sadd.s32 $0x100, s19;
	v13 =	vand.u32 $0xFFFF0000, v1;
	v2 =	vadd.f32 v8, v2;
	v8 =	vshll.u32 v1, $0x10  }
.Ltmp4:
0x7d: {  	v1 =	vld [tilespmem:s20+$0x8230];
	v14 =	vshll.u32 v12, $0x10;
	v15 =	vand.u32 $0xFFFF0000, v12;
	v0 =	vadd.f32 v13, v0;
	(pc) =	sbr.rel @p0 .LBB2_10-.Ltmp4, $4  }
0x7e: {  	v12 =	vld [tilespmem:s20+$0x8200];
	v3 =	vadd.f32 v14, v3;
	v13 =	vshll.u32 v11, $0x10;
	v14 =	vand.u32 $0xFFFF0000, v11  }
0x7f: {  	v5 =	vadd.f32 v15, v5;
	v11 =	vld [tilespmem:s20+$0x8210];
	v15 =	vshll.u32 v9, $0x10;
	v16 =	vand.u32 $0xFFFF0000, v9  }
0x80: {  	v10 =	vadd.f32 v13, v10;
	v6 =	vadd.f32 v14, v6;
	v9 =	vld [tilespmem:s20+$0x8220]  }
0x81: {  	v7 =	vadd.f32 v15, v7;
	v4 =	vadd.f32 v16, v4  }
0x82: {  	_ = 	snop  }
0x83: {  	v13 =	vshll.u32 v12, $0x10  }
0x84: {  	v12 =	vand.u32 $0xFFFF0000, v12;
	v3 =	vadd.f32 v13, v3  }
0x85: {  	v13 =	vshll.u32 v11, $0x10;
	v5 =	vadd.f32 v12, v5  }
0x86: {  	v11 =	vand.u32 $0xFFFF0000, v11;
	v10 =	vadd.f32 v13, v10;
	[tilespmem:$0x10F00] =	vst v3  }
0x87: {  	v6 =	vadd.f32 v11, v6;
	v3 =	vshll.u32 v9, $0x10;
	[tilespmem:$0x10F10] =	vst v5  }
0x88: {  	v2 =	vadd.f32 v8, v2;
	v5 =	vand.u32 $0xFFFF0000, v9;
	v3 =	vadd.f32 v3, v7;
	[tilespmem:$0x10F20] =	vst v10  }
0x89: {  	v7 =	vshll.u32 v1, $0x10;
	v4 =	vadd.f32 v5, v4;
	[tilespmem:$0x10F30] =	vst v6  }
0x8a: {  	v1 =	vand.u32 $0xFFFF0000, v1;
	v2 =	vadd.f32 v7, v2;
	[tilespmem:$0x10F40] =	vst v3  }
0x8b: {  	v0 =	vadd.f32 v1, v0;
	[tilespmem:$0x10F50] =	vst v4  }
0x8c: {  	[tilespmem:$0x10F60] =	vst v2  }
0x8d: {  	[tilespmem:$0x10F70] =	vst v0  }
0x8e: {  	_ =	swait.ge [sflag:s15], $0x1A00  }
0x8f: {  	[sflag:s15] =	ssyncset.done $0x0  }
0x90: {  	s19 =	simm.s32 $0x0;
	[sflag:s15] =	ssyncadd.s32 $0xFFFFE600  }
0x91: {  	v6 =	vld [tilespmem:s19+$0x9C30]  }
0x92: {  	v1 =	vld [tilespmem:s19+$0x9C00]  }
0x93: {  	v2 =	vld [tilespmem:s19+$0x9C10]  }
0x94: {  	v3 =	vld [tilespmem:s19+$0x9C20];
	_ =	sdelay $0x2  }
0x95: {  	s20 =	simm.s32 $0x40;
	v0 =	vimm.f32 $0.0e+00  }
0x96: {  	v10 =	vld [tilespmem:s20+$0x9C30];
	v4 =	vand.u32 $0xFFFF0000, v6;
	v5 =	vshll.u32 v1, $0x10;
	v7 =	vand.u32 $0xFFFF0000, v1  }
0x97: {  	v11 =	vld [tilespmem:s20+$0x9C00];
	v9 =	vand.u32 $0xFFFF0000, v2;
	v13 =	vand.u32 $0xFFFF0000, v3;
	v4 =	vadd.f32 v4, v0  }
0x98: {  	v8 =	vld [tilespmem:s20+$0x9C10];
	v1 =	vadd.f32 v5, v0;
	v5 =	vshll.u32 v2, $0x10;
	v2 =	vadd.f32 v7, v0  }
0x99: {  	v7 =	vshll.u32 v3, $0x10;
	v3 =	vadd.f32 v9, v0;
	v9 =	vld [tilespmem:s20+$0x9C20];
	v5 =	vadd.f32 v5, v0  }
0x9a: {  	s19 =	simm.s32 $0x200;
	v12 =	vshll.u32 v6, $0x10;
	v6 =	vadd.f32 v7, v0;
	v7 =	vadd.f32 v13, v0  }
.LBB2_12:
0x9b: {  	s20 =	sshra.s32 s19, $0x2;
	p0 =	sne.s32 s19, $0x6700;
	s19 =	sadd.s32 $0x100, s19;
	v13 =	vand.u32 $0xFFFF0000, v10;
	v0 =	vadd.f32 v12, v0;
	v12 =	vshll.u32 v10, $0x10  }
.Ltmp5:
0x9c: {  	v10 =	vld [tilespmem:s20+$0x9C30];
	v14 =	vshll.u32 v11, $0x10;
	v15 =	vand.u32 $0xFFFF0000, v11;
	v4 =	vadd.f32 v13, v4;
	(pc) =	sbr.rel @p0 .LBB2_12-.Ltmp5, $4  }
0x9d: {  	v11 =	vld [tilespmem:s20+$0x9C00];
	v1 =	vadd.f32 v14, v1;
	v13 =	vshll.u32 v8, $0x10;
	v14 =	vand.u32 $0xFFFF0000, v8  }
0x9e: {  	v2 =	vadd.f32 v15, v2;
	v8 =	vld [tilespmem:s20+$0x9C10];
	v15 =	vshll.u32 v9, $0x10;
	v16 =	vand.u32 $0xFFFF0000, v9  }
0x9f: {  	v5 =	vadd.f32 v13, v5;
	v3 =	vadd.f32 v14, v3;
	v9 =	vld [tilespmem:s20+$0x9C20]  }
0xa0: {  	v6 =	vadd.f32 v15, v6;
	v7 =	vadd.f32 v16, v7  }
0xa1: {  	_ =	swait.ge [sflag:s16], $0x1A00  }
0xa2: {  	[sflag:s16] =	ssyncset.done $0x0  }
0xa3: {  	s19 =	simm.s32 $0x0;
	[sflag:s16] =	ssyncadd.s32 $0xFFFFE600  }
0xa4: {  	v13 =	vshll.u32 v10, $0x10;
	v10 =	vand.u32 $0xFFFF0000, v10;
	v14 =	vld [tilespmem:s19+$0xB630]  }
0xa5: {  	v4 =	vadd.f32 v10, v4;
	v10 =	vld [tilespmem:s19+$0xB600]  }
0xa6: {  	v0 =	vadd.f32 v12, v0;
	v12 =	vshll.u32 v11, $0x10;
	v11 =	vand.u32 $0xFFFF0000, v11;
	v15 =	vld [tilespmem:s19+$0xB610]  }
0xa7: {  	v12 =	vadd.f32 v12, v1;
	v1 =	vshll.u32 v8, $0x10;
	v8 =	vand.u32 $0xFFFF0000, v8;
	v17 =	vld [tilespmem:s19+$0xB620]  }
0xa8: {  	v11 =	vadd.f32 v11, v2;
	v2 =	vshll.u32 v9, $0x10;
	v16 =	vadd.f32 v1, v5  }
0xa9: {  	v1 =	vand.u32 $0xFFFF0000, v9;
	v8 =	vadd.f32 v8, v3;
	v18 =	vadd.f32 v2, v6  }
0xaa: {  	s20 =	simm.s32 $0x40;
	v19 =	vadd.f32 v1, v7;
	v2 =	vadd.f32 v13, v0  }
0xab: {  	v1 =	vld [tilespmem:s20+$0xB630];
	v0 =	vand.u32 $0xFFFF0000, v14;
	v3 =	vshll.u32 v10, $0x10;
	v5 =	vand.u32 $0xFFFF0000, v10  }
0xac: {  	v6 =	vand.u32 $0xFFFF0000, v15;
	v7 =	vshll.u32 v17, $0x10;
	v3 =	vadd.f32 v3, v12;
	v12 =	vld [tilespmem:s20+$0xB600]  }
0xad: {  	v13 =	vand.u32 $0xFFFF0000, v17;
	v0 =	vadd.f32 v0, v4;
	v5 =	vadd.f32 v5, v11;
	v11 =	vld [tilespmem:s20+$0xB610]  }
0xae: {  	v9 =	vld [tilespmem:s20+$0xB620];
	v4 =	vshll.u32 v15, $0x10;
	v6 =	vadd.f32 v6, v8;
	v7 =	vadd.f32 v7, v18  }
0xaf: {  	s19 =	simm.s32 $0x200;
	v8 =	vshll.u32 v14, $0x10;
	v10 =	vadd.f32 v4, v16;
	v4 =	vadd.f32 v13, v19  }
.LBB2_14:
0xb0: {  	s20 =	sshra.s32 s19, $0x2;
	p0 =	sne.s32 s19, $0x6700;
	s19 =	sadd.s32 $0x100, s19;
	v13 =	vand.u32 $0xFFFF0000, v1;
	v2 =	vadd.f32 v8, v2;
	v8 =	vshll.u32 v1, $0x10  }
.Ltmp6:
0xb1: {  	v1 =	vld [tilespmem:s20+$0xB630];
	v14 =	vshll.u32 v12, $0x10;
	v15 =	vand.u32 $0xFFFF0000, v12;
	v0 =	vadd.f32 v13, v0;
	(pc) =	sbr.rel @p0 .LBB2_14-.Ltmp6, $4  }
0xb2: {  	v12 =	vld [tilespmem:s20+$0xB600];
	v3 =	vadd.f32 v14, v3;
	v13 =	vshll.u32 v11, $0x10;
	v14 =	vand.u32 $0xFFFF0000, v11  }
0xb3: {  	v5 =	vadd.f32 v15, v5;
	v11 =	vld [tilespmem:s20+$0xB610];
	v15 =	vshll.u32 v9, $0x10;
	v16 =	vand.u32 $0xFFFF0000, v9  }
0xb4: {  	v10 =	vadd.f32 v13, v10;
	v6 =	vadd.f32 v14, v6;
	v9 =	vld [tilespmem:s20+$0xB620]  }
0xb5: {  	v7 =	vadd.f32 v15, v7;
	v4 =	vadd.f32 v16, v4  }
0xb6: {  	v63 =	vand.u32 $0xFFFF0000, v1  }
0xb7: {  	v13 =	vshll.u32 v12, $0x10;
	v0 =	vadd.f32 v63, v0  }
0xb8: {  	v2 =	vadd.f32 v8, v2;
	v57 =	vand.u32 $0xFFFF0000, v12;
	v3 =	vadd.f32 v13, v3  }
0xb9: {  	v62 =	vshll.u32 v1, $0x10;
	v5 =	vadd.f32 v57, v5;
	[tilespmem:$0x10FF0] =	vst v0  }
0xba: {  	v58 =	vshll.u32 v11, $0x10;
	v2 =	vadd.f32 v62, v2;
	[tilespmem:$0x10F80] =	vst v3  }
0xbb: {  	v59 =	vand.u32 $0xFFFF0000, v11;
	v10 =	vadd.f32 v58, v10;
	[tilespmem:$0x10F90] =	vst v5  }
0xbc: {  	v60 =	vshll.u32 v9, $0x10;
	v6 =	vadd.f32 v59, v6;
	[tilespmem:$0x10FE0] =	vst v2  }
0xbd: {  	v61 =	vand.u32 $0xFFFF0000, v9;
	v3 =	vadd.f32 v60, v7;
	[tilespmem:$0x10FA0] =	vst v10  }
0xbe: {  	s18 =	sadd.s32 $0x1, s18;
	v4 =	vadd.f32 v61, v4;
	[tilespmem:$0x10FB0] =	vst v6  }
0xbf: {  	p0 =	sne.s32 s18, s6;
	[tilespmem:$0x10FC0] =	vst v3  }
.Ltmp7:
0xc0: {  	[tilespmem:$0x10FD0] =	vst v4;
	(pc) =	sbr.rel @p0 .LBB2_1-.Ltmp7, $4  }
0xc1: {  	[hbm4b:s5+s2] =	stream.linear.scatter [tilespmem:s17], [sflag:$0x3], $0x4000, $0x38;
	[tilespmem:$0x11000] =	vst v63  }
0xc2: {  	_ =	swait.ge [sflag:s7], $0x4000  }
0xc3: {  	[sflag:s7] =	ssyncset.done $0x0  }
0xc4: {  	[sflag:s7] =	ssyncadd.s32 $0xFFFFC000  }
0xc5: {  	_ =	sfence.sel $0x180000  }
0xc6: {  	[bflag:$0x0] =	sbarrier.arrive $0xFFFF  }
0xc7: {  	p0 =	sne.s32 s1, $0x0;
	_ =	strace $0x9000004A  }
0xc8: {  	s0 =	sadd.s32 @!p0 $0x100000, s0;
	[bflag:$0x2] =	sbarrier.arrive $0xFFFF  }
0xc9: {  	[sflag:s0] =	ssyncadd.tile.s32 @!p0 $0x1;
	_ =	shalt  }
.Lfunc_end2:
_tile_overlayer_lowered:
.L_overlay_start_2:
0xca: {  	(tag) =	ssettag $0x2  }
0xcb: {  	s0 =	rddreg [dreg:$0x0];
	s2 =	stileid.u32  }
0xcc: {  	s1 =	rddreg [dreg:$0x1];
	p0 =	sne.s32 s2, $0x0  }
0xcd: {  	s3 =	rddreg [dreg:$0x2];
	[bflag:$0x3] =	sbarrier.arrive $0xFFFF;
	s2 =	simm.s32 @!p0 $0x1C03  }
0xce: {  	[timem:s3], [sflag:s2] =	dma.local @!p0 [hbm:s0], s1  }
0xcf: {  	s0 =	simm.s32 @!p0 $0x3  }
0xd0: {  	_ =	swait.ge @!p0 [sflag:s0], s1  }
0xd1: {  	s1 =	ssub.s32 @!p0 $0x0, s1;
	[sflag:s0] =	ssyncset.done @!p0 $0x0  }
0xd2: {  	[sflag:s0] =	ssyncadd.s32 @!p0 s1  }
0xd3: {  	[bflag:$0x3] =	sbarrier.arrive $0xFFFF  }
0xd4: {  	_ =	shalt  }

// kernel: sparse-core-data-format-call.cloned.1.call-start
scs
called_computation_lowered:
.L_overlay_start_0:
0x0: {  	s1 =	sld [smem:$0x3FD9]  }
0x1: {  	s2 =	sld [smem:$0x3FFE];
	_ =	sdelay $0x1  }
0x2: {  	s3 =	srdreg.scid  }
0x3: {  	s0 =	sand.u32 $0x1, s3  }
0x4: {  	s17 =	sshll.u32 s0, $0xA;
	s1 =	sadd.s32 s2, s1  }
0x5: {  	s1 =	sadd.s32 s1, s17  }
0x6: {  	[smem:$0x3FC4] =	sst s1  }
0x7: {  	_ = 	snop  }
0x8: {  	(tm) =	ssettm $0x1  }
0x9: {  	s18 =	sld [smem:$0x3FFB];
	_ =	sdelay $0x3  }
0xa: {  	_ =	strace s18  }
0xb: {  	s1 =	sld [smem:$0x3FFC];
	_ =	sdelay $0x3  }
0xc: {  	_ =	strace s1  }
0xd: {  	s1 =	sld [smem:$0x3FFD];
	_ =	sdelay $0x3  }
0xe: {  	_ =	strace s1  }
0xf: {  	_ =	strace $0x8FFFFFFF  }
0x10: {  	s19 =	sld [smem:$0x3FDB];
	_ =	sdelay $0x1  }
0x11: {  	s20 =	simm.s32 $_scs_section_size  }
0x12: {  	s4 =	simm.s32 $_size__tile_overlayer_lowered;
	s5 =	simm.s32 $_tile_overlayer_lowered  }
0x13: {  	s23 =	simm.s32 $0x1BFF;
	s22 =	sshll.u32 s5, $0x1;
	s1 =	sadd.s32 s20, s19  }
0x14: {  	s6 =	simm.s32 $0x0;
	s21 =	sshll.u32 s4, $0x1;
	s4 =	sadd.s32 s22, s1  }
0x15: {  	[timem:s6], [sflag:s23] =	dma.local [hbm:s4], s21  }
0x16: {  	_ =	swait.ge [sflag:s23], s21  }
0x17: {  	s2 =	ssub.s32 $0x0, s21;
	[sflag:s23] =	ssyncset.done $0x0  }
0x18: {  	[sflag:s23] =	ssyncadd.s32 s2;
	_ =	sdelay $0x1  }
0x19: {  	s24 =	simm.s32 $0x1B8B  }
0x1a: {  	_ =	swait.ge [sflag:s24], $0x1  }
0x1b: {  	[sflag:s24] =	ssyncset.done $0x0  }
0x1c: {  	s26 =	simm.s32 $0x1B8E;
	s25 =	sld [smem:$0x3FFE];
	[sflag:s24] =	ssyncadd.s32 $0xFFFFFFFF  }
0x1d: {  	s27 =	simm.s32 $execute0_lowered;
	[smem:$0x3FD2] =	sst s26  }
0x1e: {  	s4 =	sshll.u32 s27, $0x1;
	_ =	strace $0x80000046;
	[dreg:$0x1] =	wrdreg $0xFFFFFFFF  }
0x1f: {  	s28 =	simm.s32 $_size_execute0_lowered;
	s1 =	sadd.s32 s1, s4;
	[dreg:$0x0] =	wrdreg $0x0  }
0x20: {  	s4 =	sshll.u32 s28, $0x1;
	[dreg:$0x2] =	wrdreg s1  }
0x21: {  	[dreg:$0x3] =	wrdreg s4  }
0x22: {  	[dreg:$0x4] =	wrdreg $0xC0  }
0x23: {  	_ =	task [dreg:s6], $0x5FFFF  }
0x24: {  	[dreg:$0x1] =	wrdreg $0xFFFFFFFF  }
0x25: {  	[dreg:$0x0] =	wrdreg $0x60  }
0x26: {  	[dreg:$0x2] =	wrdreg s25  }
0x27: {  	[dreg:$0x3] =	wrdreg $0x9  }
0x28: {  	_ =	task.clear_ibuf [dreg:s6], $0x4FFFF;
	_ =	strace $0x90000046  }
0x29: {  	s29 =	simm.s32 $0x9;
	_ =	strace $0x80000048  }
0x2a: {  	_ =	swait.ge [sflag:s29], $0x1  }
0x2b: {  	[sflag:s29] =	ssyncadd.s32 $0xFFFFFFFF  }
0x2c: {  	_ =	strace $0x90000048  }
0x2d: {  	_ =	sfence  }
0x2e: {  	s30 =	sld [smem:$0x0];
	_ =	sdelay $0x2  }
0x2f: {  	s31 =	sshll.u32 s3, $0xD;
	s3 =	sshrl.u32 s3, $0x2  }
0x30: {  	s2 =	sand.u32 $0x4000, s31;
	s1 =	sadd.s32 s3, s30  }
0x31: {  	s0 =	sor.u32 s2, s0;
	s1 =	sshll.u32 s1, $0x11  }
0x32: {  	s0 =	sor.u32 s1, s0  }
0x33: {  	s0 =	sadd.s32 $0x8F2B, s0  }
0x34: {  	[sflag:s0] =	ssyncadd.remote.s32 $0x1  }
0x35: {  	_ =	sfence.sel $0xFFFF  }
0x36: {  	[dreg:$0x0] =	wrdreg $0xFFFFFFFF;
	(pc) =	sbr.abs _section_cstart, $3  }
0x37: {  	[dreg:$0x1] =	wrdreg $0xFFFFFFFF  }
0x38: {  	_ =	task.clear_ibuf [dreg:s6], $0x2FFFF;
	_ =	strace $0x9FFFFFFF  }
0x39: {  	(tm) =	ssettm $0x7FFFFFFF  }
tec
execute0_lowered:
.L_overlay_start_1:
0x0: {  	(tag) =	ssettag $0x1  }
0x1: {  	s0 =	srdreg.scid  }
0x2: {  	s4 =	rddreg [dreg:$0x0];
	s1 =	stileid.u32  }
0x3: {  	s5 =	simm.s32 $0x1;
	s7 =	simm.s32 $0x2;
	s0 =	sshll.u32 s0, $0x4  }
0x4: {  	s11 =	simm.s32 $0x0;
	p0 =	por $0x0, $0x0;
	s2 =	sand.u32 $0x10, s0  }
.Ltmp0:
0x5: {  	s8 =	simm.s32 $0xC3800;
	s3 =	sor.u32 s1, s2;
	(pc) =	sbr.rel .LBB1_1-.Ltmp0, $4  }
0x6: {  	s10 =	simm.s32 $0x0;
	s0 =	rddreg [dreg:$0x1];
	s3 =	sshll.u32 s3, $0x7  }
0x7: {  	_ =	strace $0x80000047;
	s2 =	sadd.s32 $0xE00, s4;
	s6 =	ssub.s32 $0x18680, s3  }
0x8: {  	s4 =	sadd.s32 $0x187800, s4;
	[sflag:s5] =	ssyncpa.u1 $0x0;
	s6 =	sshrl.u32 s6, $0xC  }
0x9: {  	[sflag:s7] =	ssyncpa.u1 $0x0;
	s9 =	smov.u32 s3;
	s7 =	sadd.s32 $0x2, s6  }
.LBB1_5:
0xa: {  	s13 =	sadd.s32 $0x1000, s9  }
0xb: {  	p2 =	sgt.s32 s13, $0x1869F  }
0xc: {  	s13 =	smov.u32 @p2 s3;
	p2 =	sne.s32 s10, s7  }
.Ltmp1:
0xd: {  	p1 =	slt.u32 s10, $0x2;
	(pc) =	sbr.rel @!p2 .LBB1_6-.Ltmp1, $4  }
0xe: {  	s12 =	simm.s32 @!p1 $0x2  }
0xf: {  	s14 =	sadd.s32 $0x1, s10;
	_ =	swait.ge @!p1 [sflag:s12], $0x4000  }
0x10: {  	s11 =	smov.u32 s9;
	p0 =	por !p0, !p0;
	[sflag:s12] =	ssyncset.done @!p1 $0x0  }
0x11: {  	s10 =	smov.u32 s14;
	s9 =	smov.u32 s13;
	[sflag:s12] =	ssyncadd.s32 @!p1 $0xFFFFC000  }
.LBB1_1:
0x12: {  	p1 =	sgt.u32 s10, s6  }
0x13: {  	s12 =	sand.u32 @!p1 $0x1FFFFFF, s9  }
0x14: {  	p2 =	sgt.s32 @!p1 s9, $0x18620;
	s13 =	smulhi.u32 @!p1 $0x14F8B59, s12  }
0x15: {  	s14 =	smov.u32 s9;
	s15 =	sshra.s32 @!p1 s9, $0x1F;
	p2 =	por !p2, p1  }
0x16: {  	s15 =	sand.u32 @!p1 s15, s9;
	s14 =	simm.s32 @p2 $0x18620;
	s13 =	sshrl.u32 @!p1 s13, $0x9  }
0x17: {  	s14 =	ssub.s32 @!p1 s14, s15;
	s13 =	smul.u32 @!p1 $0x186A0, s13  }
0x18: {  	s15 =	sxor.u32 @!p1 $0xFFFFFFFF, s10;
	s14 =	sadd.s32 @!p1 $0xFFFE79E0, s14  }
0x19: {  	s15 =	sshll.u32 @!p1 s15, $0xE;
	s12 =	ssub.s32 @!p1 s12, s13;
	s13 =	sshll.u32 @!p1 s14, $0x9  }
0x1a: {  	s15 =	sand.u32 @!p1 $0x4000, s15;
	p2 =	sgt.s32 @!p1 s14, $0x7F;
	s13 =	ssub.s32 @!p1 $0x10000, s13  }
0x1b: {  	p2 =	por !p2, p1;
	s12 =	sshll.u32 @!p1 s12, $0x4;
	s13 =	sshrl.u32 @!p1 s13, $0x2  }
0x1c: {  	s14 =	simm.s32 @!p1 $0x0;
	s12 =	sadd.s32 @!p1 s2, s12;
	s13 =	simm.s32 @!p2 $0x0  }
0x1d: {  	[tilespmem:s15], [sflag:$0x1] =	stream.linear.gather @!p1 [hbm4b:s12+s14], s13, $0x38;
	[tilespmem:$0x10100] =	vst v63  }
0x1e: {  	p1 =	seq.s32 s10, $0x0  }
0x1f: {  	p2 =	sge.u32 @!p1 s10, s7  }
0x20: {  	p1 =	por p1, p2  }
.Ltmp2:
0x21: {  	_ = 	snop;
	(pc) =	sbr.rel @p1 .LBB1_5-.Ltmp2, $1  }
0x22: {  	_ =	sdelay $0x3  }
0x23: {  	p1 =	sgt.s32 s11, $0x18620;
	s12 =	smov.u32 s11;
	s13 =	sshra.s32 s11, $0x1F  }
0x24: {  	s12 =	simm.s32 @!p1 $0x18620;
	s13 =	sand.u32 s13, s11  }
0x25: {  	s12 =	ssub.s32 s12, s13  }
0x26: {  	s12 =	sadd.s32 $0xFFFE79E0, s12  }
0x27: {  	s29 =	sshll.u32 s12, $0x9  }
0x28: {  	s13 =	ssub.s32 $0x10000, s29  }
0x29: {  	p1 =	sgt.s32 s12, $0x7F;
	s12 =	sshrl.u32 s13, $0x2  }
0x2a: {  	s13 =	simm.s32 $0x1;
	s12 =	simm.s32 @p1 $0x0  }
0x2b: {  	s13 =	simm.s32 @!p0 $0x0;
	_ =	swait.ge [sflag:s5], s12  }
0x2c: {  	s14 =	sshll.u32 s13, $0xE;
	s12 =	ssub.s32 $0x0, s12;
	[sflag:s5] =	ssyncset.done $0x0  }
0x2d: {  	s15 =	sor.u32 $0x40, s14;
	[sflag:s5] =	ssyncadd.s32 s12  }
0x2e: {  	s30 =	smul.u32 $0x10200, s13;
	v0 =	vld [tilespmem:s15+$0x30]  }
0x2f: {  	v1 =	vld [tilespmem:s15+$0xFFFFFFD0]  }
0x30: {  	s12 =	sshrl.u32 s30, $0x2;
	v5 =	vld [tilespmem:s15+$0xFFFFFFE0]  }
0x31: {  	s13 =	sor.u32 $0x8000, s12;
	v6 =	vld [tilespmem:s15+$0xFFFFFFF0]  }
0x32: {  	s31 =	sand.u32 $0x1, s10;
	v3 =	vld [tilespmem:s15+$0x0];
	s14 =	sadd.s32 $0x0, s13  }
0x33: {  	s12 =	smul.u32 $0x10200, s31;
	v4 =	vld [tilespmem:s15+$0x10];
	[tilespmem:s14+$0x3870 ss:$0x81] =	vst.msk $0xffff, v0  }
0x34: {  	v2 =	vld [tilespmem:s15+$0x20];
	[tilespmem:s14+$0x810 ss:$0x81] =	vst.msk $0xffff, v1  }
0x35: {  	s12 =	sshrl.u32 s12, $0x2;
	v0 =	vld [tilespmem:s15+$0xFFFFFFC0];
	[tilespmem:s14+$0x1020 ss:$0x81] =	vst.msk $0xffff, v5;
	s15 =	sadd.s32 $0x80, s15  }
0x36: {  	s16 =	simm.s32 $0x4;
	s17 =	simm.s32 $0x8;
	s12 =	sor.u32 $0x8000, s12;
	[tilespmem:s14+$0x1830 ss:$0x81] =	vst.msk $0xffff, v6;
	v1 =	vld [tilespmem:s15+$0x30]  }
.LBB1_3:
0x37: {  	p1 =	sne.s32 s17, $0x1FC;
	v5 =	vld [tilespmem:s15+$0xFFFFFFD0];
	[tilespmem:s14+$0x2040 ss:$0x81] =	vst.msk $0xffff, v3  }
0x38: {  	v6 =	vld [tilespmem:s15+$0xFFFFFFE0];
	[tilespmem:s14+$0x2850 ss:$0x81] =	vst.msk $0xffff, v4  }
0x39: {  	s18 =	sshra.s32 s16, $0x2;
	s16 =	smov.u32 s17;
	v7 =	vld [tilespmem:s15+$0xFFFFFFF0];
	[tilespmem:s14+$0x3060 ss:$0x81] =	vst.msk $0xffff, v2  }
.Ltmp3:
0x3a: {  	v3 =	vld [tilespmem:s15+$0x0];
	[tilespmem:s14+$0x0 ss:$0x81] =	vst.msk $0xffff, v0;
	s14 =	sadd.s32 s18, s13;
	(pc) =	sbr.rel @p1 .LBB1_3-.Ltmp3, $4  }
0x3b: {  	v4 =	vld [tilespmem:s15+$0x10];
	[tilespmem:s14+$0x3870 ss:$0x81] =	vst.msk $0xffff, v1  }
0x3c: {  	[tilespmem:s14+$0x810 ss:$0x81] =	vst.msk $0xffff, v5;
	v2 =	vld [tilespmem:s15+$0x20]  }
0x3d: {  	v0 =	vld [tilespmem:s15+$0xFFFFFFC0];
	[tilespmem:s14+$0x1020 ss:$0x81] =	vst.msk $0xffff, v6;
	s15 =	sadd.s32 $0x80, s15  }
0x3e: {  	s17 =	sadd.s32 $0x4, s17;
	v1 =	vld [tilespmem:s15+$0x30];
	[tilespmem:s14+$0x1830 ss:$0x81] =	vst.msk $0xffff, v7  }
0x3f: {  	v5 =	vld [tilespmem:s15+$0xFFFFFFD0];
	[tilespmem:s14+$0x2040 ss:$0x81] =	vst.msk $0xffff, v3;
	s17 =	sshll.u32 s11, $0x3  }
0x40: {  	v58 =	vld [tilespmem:s15+$0xFFFFFFE0];
	s25 =	sand.u32 $0x7F, s11;
	[tilespmem:s14+$0x2850 ss:$0x81] =	vst.msk $0xffff, v4;
	s17 =	sand.u32 $0xFFFFFC00, s17  }
0x41: {  	s16 =	sshra.s32 s16, $0x2;
	v59 =	vld [tilespmem:s15+$0xFFFFFFF0];
	[tilespmem:s14+$0x3060 ss:$0x81] =	vst.msk $0xffff, v2;
	s11 =	sor.u32 s25, s17  }
0x42: {  	v60 =	vld [tilespmem:s15+$0x0];
	s13 =	sadd.s32 s16, s13;
	[tilespmem:s14+$0x0 ss:$0x81] =	vst.msk $0xffff, v0;
	s26 =	smulhi.u32 $0xA79C7B17, s11  }
0x43: {  	v61 =	vld [tilespmem:s15+$0x10];
	[tilespmem:s13+$0x3870 ss:$0x81] =	vst.msk $0xffff, v1  }
0x44: {  	v62 =	vld [tilespmem:s15+$0x20];
	s27 =	smulhi.u32 $0xA79C7B17, s17;
	[tilespmem:s13+$0x810 ss:$0x81] =	vst.msk $0xffff, v5;
	s14 =	sshrl.u32 s26, $0x10  }
0x45: {  	v63 =	vld [tilespmem:s15+$0xFFFFFFC0];
	[tilespmem:s13+$0x1020 ss:$0x81] =	vst.msk $0xffff, v58;
	s14 =	smul.u32 $0x18700, s14  }
0x46: {  	s28 =	sshrl.u32 s27, $0x10;
	[tilespmem:s13+$0x1830 ss:$0x81] =	vst.msk $0xffff, v59  }
.Ltmp4:
0x47: {  	[tilespmem:s13+$0x2040 ss:$0x81] =	vst.msk $0xffff, v60;
	s29 =	sand.u32 $0x7F, s28;
	s11 =	ssub.s32 s11, s14;
	(pc) =	sbr.rel .LBB1_5-.Ltmp4, $4  }
0x48: {  	[tilespmem:s13+$0x2850 ss:$0x81] =	vst.msk $0xffff, v61;
	s14 =	smul.u32 $0x30E0, s29;
	s30 =	sshrl.u32 s11, $0x3;
	s11 =	sand.u32 $0x7, s11  }
0x49: {  	[tilespmem:s13+$0x3060 ss:$0x81] =	vst.msk $0xffff, v62;
	s15 =	sadd.s32 s4, s30;
	s11 =	sshll.u32 s11, $0x12  }
0x4a: {  	[tilespmem:s13+$0x0 ss:$0x81] =	vst.msk $0xffff, v63;
	s31 =	sadd.s32 s14, s15;
	s11 =	sor.u32 $0x400, s11  }
0x4b: {  	[hbm4b:s31+s11] =	stream.strided.scatter [tilespmem:s12], [sflag:$0x2], $0x4000, s8, s11, $0x20;
	[tilespmem:$0x10100] =	vst v63  }
.LBB1_6:
0x4c: {  	_ =	sfence.sel $0x180000  }
0x4d: {  	s2 =	simm.s32 $0x1;
	[bflag:$0x0] =	sbarrier.arrive $0xFFFF  }
0x4e: {  	s31 =	simm.s32 $0x2;
	[sflag:s2] =	ssyncpa.u1 $0x1  }
0x4f: {  	[sflag:s31] =	ssyncpa.u1 $0x1  }
0x50: {  	p0 =	sne.s32 s1, $0x0;
	_ =	strace $0x90000047  }
0x51: {  	s0 =	sadd.s32 @!p0 $0x100000, s0;
	[bflag:$0x2] =	sbarrier.arrive $0xFFFF  }
0x52: {  	[sflag:s0] =	ssyncadd.tile.s32 @!p0 $0x1;
	_ =	shalt  }
.Lfunc_end1:
_tile_overlayer_lowered:
.L_overlay_start_2:
0x53: {  	(tag) =	ssettag $0x2  }
0x54: {  	s0 =	rddreg [dreg:$0x0];
	s2 =	stileid.u32  }
0x55: {  	s1 =	rddreg [dreg:$0x1];
	p0 =	sne.s32 s2, $0x0  }
0x56: {  	s3 =	rddreg [dreg:$0x2];
	[bflag:$0x3] =	sbarrier.arrive $0xFFFF;
	s2 =	simm.s32 @!p0 $0x1C01  }
0x57: {  	[timem:s3], [sflag:s2] =	dma.local @!p0 [hbm:s0], s1  }
0x58: {  	s0 =	simm.s32 @!p0 $0x1  }
0x59: {  	_ =	swait.ge @!p0 [sflag:s0], s1  }
0x5a: {  	s1 =	ssub.s32 @!p0 $0x0, s1;
	[sflag:s0] =	ssyncset.done @!p0 $0x0  }
0x5b: {  	[sflag:s0] =	ssyncadd.s32 @!p0 s1  }
0x5c: {  	[bflag:$0x3] =	sbarrier.arrive $0xFFFF  }
0x5d: {  	_ =	shalt  }

</sc_bundles>
